<compile_context>
chip_gen: v7x
topology: tpu7x:2x2x1
jax: 0.10.2.dev20260603
libtpu: 0.0.44.dev20260713+nightly
codegen_flags: <defaults>
</compile_context>

<pallas_src>
import dataclasses

import jax
import jax.numpy as jnp
from jax import lax
from jax.experimental import pallas as pl
from jax.experimental.pallas import tpu as pltpu
from jax.experimental.pallas import tpu_sc as plsc

N = 4096
B = 4096
K = 64
S = 3072


NC, NS, L = 2, 16, 16
NW = NC * NS
RPW = S // NW
RB = 4
NBLK = RPW // RB
NBUF = 4


def _sc_kernel(f_hbm, x_hbm, o_hbm, b0, b1, b2, b3, x_v, o_v, s0, s1, s2, s3):
    wid = lax.axis_index("s") * NC + lax.axis_index("c")
    row0 = wid * RPW
    bufs = [b0, b1, b2, b3]
    sems = [s0, s1, s2, s3]

    def start(blk, buf, sem):
        pltpu.async_copy(f_hbm.at[pl.ds(row0 + blk * RB, RB)], buf, sem)

    def wait(buf, sem):
        pltpu.make_async_copy(f_hbm.at[pl.ds(row0, RB)], buf, sem).wait()

    def compute(blk, buf):
        @pl.loop(0, RB)
        def _row(r):
            rloc = blk * RB + r
            rv = jnp.full((L,), r, jnp.int32)
            for c in range(K // L):
                xv = x_v[rloc, pl.ds(c * L, L)]
                x1 = xv.astype(jnp.int32)
                dx = xv - x1.astype(jnp.float32)
                y1 = plsc.load_gather(buf, [rv, x1])
                y2 = plsc.load_gather(buf, [rv, x1 + 1])
                o_v[rloc, pl.ds(c * L, L)] = y1 * (1.0 - dx) + y2 * dx

    for k in range(NBUF):
        start(k, bufs[k], sems[k])
    pltpu.sync_copy(x_hbm.at[pl.ds(row0, RPW)], x_v)

    @pl.loop(0, NBLK, step=NBUF)
    def _blk(b):
        for k in range(NBUF):
            wait(bufs[k], sems[k])
            compute(b + k, bufs[k])

            @pl.when(b + k + NBUF < NBLK)
            def _():
                start(b + k + NBUF, bufs[k], sems[k])

    pltpu.sync_copy(o_v, o_hbm.at[pl.ds(row0, RPW)])


def _compiler_params():
    cp = pltpu.CompilerParams()
    if "needs_layout_passes" in pltpu.CompilerParams.__dataclass_fields__:
        cp = dataclasses.replace(cp, needs_layout_passes=False)
    return cp


def _sc_half(f, x):
    mesh = plsc.VectorSubcoreMesh(core_axis_name="c", subcore_axis_name="s")
    run = pl.kernel(
        _sc_kernel,
        out_type=jax.ShapeDtypeStruct((S, K), jnp.float32),
        mesh=mesh,
        scratch_types=[
            pltpu.VMEM((RB, B), jnp.float32),
            pltpu.VMEM((RB, B), jnp.float32),
            pltpu.VMEM((RB, B), jnp.float32),
            pltpu.VMEM((RB, B), jnp.float32),
            pltpu.VMEM((RPW, K), jnp.float32),
            pltpu.VMEM((RPW, K), jnp.float32),
            pltpu.SemaphoreType.DMA,
            pltpu.SemaphoreType.DMA,
            pltpu.SemaphoreType.DMA,
            pltpu.SemaphoreType.DMA,
        ],
        compiler_params=_compiler_params(),
    )
    return run(f, x)



RBK = 256
CW = 128


def _tc_body(f_ref, x_ref, o_ref):
    xv = x_ref[...]
    x1 = jnp.floor(xv).astype(jnp.int32)
    dx = xv - x1.astype(jnp.float32)
    c1, l1 = lax.shift_right_logical(x1, 7), lax.bitwise_and(x1, 127)
    y1 = jnp.zeros((RBK, K), jnp.float32)
    for v in range(B // CW):
        fb = f_ref[:, v * CW:(v + 1) * CW]
        y1 = jnp.where(c1 == v, jnp.take_along_axis(fb, l1, axis=1), y1)
    o_ref[...] = y1

    @pl.when(jnp.any(dx != 0.0))
    def _slow():
        x2 = x1 + 1
        c2, l2 = lax.shift_right_logical(x2, 7), lax.bitwise_and(x2, 127)
        y2 = jnp.zeros((RBK, K), jnp.float32)
        for v in range(B // CW):
            fb = f_ref[:, v * CW:(v + 1) * CW]
            y2 = jnp.where(c2 == v, jnp.take_along_axis(fb, l2, axis=1), y2)
        o_ref[...] = y1 * (1.0 - dx) + y2 * dx


def _tc_half(f, x):
    grid = ((N - S) // RBK,)
    return pl.pallas_call(
        _tc_body,
        grid=grid,
        in_specs=[
            pl.BlockSpec((RBK, B), lambda i: (S // RBK + i, 0)),
            pl.BlockSpec((RBK, K), lambda i: (S // RBK + i, 0)),
        ],
        out_specs=pl.BlockSpec((RBK, K), lambda i: (i, 0)),
        out_shape=jax.ShapeDtypeStruct((N - S, K), jnp.float32),
    )(f, x)


@jax.jit
def kernel(f, x):
    tc = _tc_half(f, x)
    sc = _sc_half(f, x)
    return jnp.concatenate([sc, tc], axis=0)

# --- scband reference (transcript-rebuilt; emitter-appended) ---
"""Pipeline reference for scband-discrete-indexing-26499948216756 (READ-ONLY COPY).

The authoritative reference and input builder live on the scoring server;
editing this copy changes nothing except your own understanding.
"""

import jax, jax.numpy as jnp
import numpy as np


def setup_inputs(seed: int = 0) -> dict:
    key = jax.random.key(seed)
    k1, k2 = jax.random.split(key)
    f = jax.random.normal(k1, (4096, 4096), dtype=jnp.float32)
    # x must lie in [0, num_bins - 1]; use integer-valued floats in [0, 4094]
    x = jax.random.randint(k2, (4096, 64), 0, 4095).astype(jnp.float32)
    return {"f": f, "x": x}


def _lerp(f, x):
    x1 = jnp.floor(x).astype(jnp.int32)
    x2 = x1 + 1
    y1 = jnp.take_along_axis(f, x1, axis=-1)
    y2 = jnp.take_along_axis(f, x2, axis=-1)
    dx = x - x1.astype(x.dtype)
    return y1 * (1.0 - dx) + y2 * dx


def reference(f, x):
    # Forward of DiscreteIndexing: piecewise-linear interpolation of f at
    # fractional indices x along the last (bins) dimension.
    return _lerp(f, x)

if __name__ == "__main__":
    import jax
    _d = setup_inputs()
    print(jax.jit(kernel)(*tuple(_d.values())))

</pallas_src>

<mosaic_0001>
#map = affine_map<(d0, d1) -> (0, 0)>
module attributes {stable_mosaic.version = 14 : i64} {
  func.func @_sc_kernel(%arg0: i32, %arg1: i32, %arg2: memref<4096x4096xf32, #tpu.memory_space<hbm>>, %arg3: memref<4096x64xf32, #tpu.memory_space<hbm>>, %arg4: memref<3072x64xf32, #tpu.memory_space<hbm>>, %arg5: memref<4x4096xf32, #tpu.memory_space<vmem>>, %arg6: memref<4x4096xf32, #tpu.memory_space<vmem>>, %arg7: memref<4x4096xf32, #tpu.memory_space<vmem>>, %arg8: memref<4x4096xf32, #tpu.memory_space<vmem>>, %arg9: memref<96x64xf32, #tpu.memory_space<vmem>>, %arg10: memref<96x64xf32, #tpu.memory_space<vmem>>, %arg11: memref<!tpu.dma_semaphore, #tpu.memory_space<semaphore_mem>>, %arg12: memref<!tpu.dma_semaphore, #tpu.memory_space<semaphore_mem>>, %arg13: memref<!tpu.dma_semaphore, #tpu.memory_space<semaphore_mem>>, %arg14: memref<!tpu.dma_semaphore, #tpu.memory_space<semaphore_mem>>) attributes {dimension_semantics = [#tpu.dimension_semantics<core_parallel>, #tpu.dimension_semantics<subcore_parallel>], iteration_bounds = array<i64: 2, 16>, scalar_prefetch = 0 : i64, scratch_operands = 10 : i64, tpu.core_type = #tpu.core_type<sc_vector_subcore>, window_params = [{transform_indices = #map}, {transform_indices = #map}, {transform_indices = #map}]} {
    %mul3A = arith.constant 2 : i32
    %mul3A_0 = arith.muli %arg1, %mul3A : i32
    %add3A = arith.addi %mul3A_0, %arg0 : i32
    %mul3A_1 = arith.constant 96 : i32
    %mul3A_2 = arith.muli %add3A, %mul3A_1 : i32
    %add3A_3 = arith.constant 0 : i32
    %add3A_4 = arith.addi %mul3A_2, %add3A_3 : i32
    %dma_start3A = arith.constant 0 : i32
    %dma_start3A_5 = tpu.memref_slice %arg2[%add3A_4, %dma_start3A] : memref<4096x4096xf32, #tpu.memory_space<hbm>> -> memref<4x4096xf32, #tpu.memory_space<hbm>>
    %dma_start3A_6 = arith.constant 0 : i32
    %dma_start3A_7 = tpu.memref_slice %arg2[%add3A_4, %dma_start3A_6] : memref<4096x4096xf32, #tpu.memory_space<hbm>> -> memref<4x4096xf32, #tpu.memory_space<hbm>>
    tpu.enqueue_dma source(%dma_start3A_7 : memref<4x4096xf32, #tpu.memory_space<hbm>>) target(%arg5 : memref<4x4096xf32, #tpu.memory_space<vmem>>) target_semaphore(%arg11 : memref<!tpu.dma_semaphore, #tpu.memory_space<semaphore_mem>>)
    %add3A_8 = arith.constant 4 : i32
    %add3A_9 = arith.addi %mul3A_2, %add3A_8 : i32
    %dma_start3A_10 = arith.constant 0 : i32
    %dma_start3A_11 = tpu.memref_slice %arg2[%add3A_9, %dma_start3A_10] : memref<4096x4096xf32, #tpu.memory_space<hbm>> -> memref<4x4096xf32, #tpu.memory_space<hbm>>
    %dma_start3A_12 = arith.constant 0 : i32
    %dma_start3A_13 = tpu.memref_slice %arg2[%add3A_9, %dma_start3A_12] : memref<4096x4096xf32, #tpu.memory_space<hbm>> -> memref<4x4096xf32, #tpu.memory_space<hbm>>
    tpu.enqueue_dma source(%dma_start3A_13 : memref<4x4096xf32, #tpu.memory_space<hbm>>) target(%arg6 : memref<4x4096xf32, #tpu.memory_space<vmem>>) target_semaphore(%arg12 : memref<!tpu.dma_semaphore, #tpu.memory_space<semaphore_mem>>)
    %add3A_14 = arith.constant 8 : i32
    %add3A_15 = arith.addi %mul3A_2, %add3A_14 : i32
    %dma_start3A_16 = arith.constant 0 : i32
    %dma_start3A_17 = tpu.memref_slice %arg2[%add3A_15, %dma_start3A_16] : memref<4096x4096xf32, #tpu.memory_space<hbm>> -> memref<4x4096xf32, #tpu.memory_space<hbm>>
    %dma_start3A_18 = arith.constant 0 : i32
    %dma_start3A_19 = tpu.memref_slice %arg2[%add3A_15, %dma_start3A_18] : memref<4096x4096xf32, #tpu.memory_space<hbm>> -> memref<4x4096xf32, #tpu.memory_space<hbm>>
    tpu.enqueue_dma source(%dma_start3A_19 : memref<4x4096xf32, #tpu.memory_space<hbm>>) target(%arg7 : memref<4x4096xf32, #tpu.memory_space<vmem>>) target_semaphore(%arg13 : memref<!tpu.dma_semaphore, #tpu.memory_space<semaphore_mem>>)
    %add3A_20 = arith.constant 12 : i32
    %add3A_21 = arith.addi %mul3A_2, %add3A_20 : i32
    %dma_start3A_22 = arith.constant 0 : i32
    %dma_start3A_23 = tpu.memref_slice %arg2[%add3A_21, %dma_start3A_22] : memref<4096x4096xf32, #tpu.memory_space<hbm>> -> memref<4x4096xf32, #tpu.memory_space<hbm>>
    %dma_start3A_24 = arith.constant 0 : i32
    %dma_start3A_25 = tpu.memref_slice %arg2[%add3A_21, %dma_start3A_24] : memref<4096x4096xf32, #tpu.memory_space<hbm>> -> memref<4x4096xf32, #tpu.memory_space<hbm>>
    tpu.enqueue_dma source(%dma_start3A_25 : memref<4x4096xf32, #tpu.memory_space<hbm>>) target(%arg8 : memref<4x4096xf32, #tpu.memory_space<vmem>>) target_semaphore(%arg14 : memref<!tpu.dma_semaphore, #tpu.memory_space<semaphore_mem>>)
    "tpu.region"() ({
      %run_scoped3A = tpu.sem_alloc : memref<!tpu.dma_semaphore, #tpu.memory_space<semaphore_mem>>
      %dma_start3A_30 = arith.constant 0 : i32
      %dma_start3A_31 = tpu.memref_slice %arg3[%mul3A_2, %dma_start3A_30] : memref<4096x64xf32, #tpu.memory_space<hbm>> -> memref<96x64xf32, #tpu.memory_space<hbm>>
      %dma_start3A_32 = arith.constant 0 : i32
      %dma_start3A_33 = tpu.memref_slice %arg3[%mul3A_2, %dma_start3A_32] : memref<4096x64xf32, #tpu.memory_space<hbm>> -> memref<96x64xf32, #tpu.memory_space<hbm>>
      tpu.enqueue_dma source(%dma_start3A_33 : memref<96x64xf32, #tpu.memory_space<hbm>>) target(%arg9 : memref<96x64xf32, #tpu.memory_space<vmem>>) target_semaphore(%run_scoped3A : memref<!tpu.dma_semaphore, #tpu.memory_space<semaphore_mem>>)
      %dma_wait3A = arith.constant 0 : i32
      %dma_wait3A_34 = tpu.memref_slice %arg3[%mul3A_2, %dma_wait3A] : memref<4096x64xf32, #tpu.memory_space<hbm>> -> memref<96x64xf32, #tpu.memory_space<hbm>>
      %dma_wait3A_35 = arith.constant 0 : i32
      %dma_wait3A_36 = tpu.memref_slice %arg3[%mul3A_2, %dma_wait3A_35] : memref<4096x64xf32, #tpu.memory_space<hbm>> -> memref<96x64xf32, #tpu.memory_space<hbm>>
      tpu.wait_dma2 semaphore(%run_scoped3A : memref<!tpu.dma_semaphore, #tpu.memory_space<semaphore_mem>>) src(%dma_wait3A_36 : memref<96x64xf32, #tpu.memory_space<hbm>>) dst(%arg9 : memref<96x64xf32, #tpu.memory_space<vmem>>)
      tpu.yield
    }) : () -> ()
    %scan3A = arith.constant 0 : i32
    %scan3A_26 = arith.constant 6 : i32
    %scan3A_27 = arith.addi %scan3A, %scan3A_26 : i32
    %scan3A_28 = arith.constant 1 : i32
    scf.for %scan3A_30 = %scan3A to %scan3A_27 step %scan3A_28  : i32 {
      %mul3A_31 = arith.constant 4 : i32
      %mul3A_32 = arith.muli %scan3A_30, %mul3A_31 : i32
      %add3A_33 = arith.constant 0 : i32
      %add3A_34 = arith.addi %add3A_33, %mul3A_32 : i32
      %dma_wait3A = arith.constant 0 : i32
      %dma_wait3A_35 = tpu.memref_slice %arg2[%mul3A_2, %dma_wait3A] : memref<4096x4096xf32, #tpu.memory_space<hbm>> -> memref<4x4096xf32, #tpu.memory_space<hbm>>
      %dma_wait3A_36 = arith.constant 0 : i32
      %dma_wait3A_37 = tpu.memref_slice %arg2[%mul3A_2, %dma_wait3A_36] : memref<4096x4096xf32, #tpu.memory_space<hbm>> -> memref<4x4096xf32, #tpu.memory_space<hbm>>
      tpu.wait_dma2 semaphore(%arg11 : memref<!tpu.dma_semaphore, #tpu.memory_space<semaphore_mem>>) src(%dma_wait3A_37 : memref<4x4096xf32, #tpu.memory_space<hbm>>) dst(%arg5 : memref<4x4096xf32, #tpu.memory_space<vmem>>)
      %add3A_38 = arith.constant 0 : i32
      %add3A_39 = arith.addi %add3A_34, %add3A_38 : i32
      %scan3A_40 = arith.constant 0 : i32
      %scan3A_41 = arith.constant 4 : i32
      %scan3A_42 = arith.addi %scan3A_40, %scan3A_41 : i32
      %scan3A_43 = arith.constant 1 : i32
      scf.for %scan3A_111 = %scan3A_40 to %scan3A_42 step %scan3A_43  : i32 {
        %mul3A_112 = arith.constant 1 : i32
        %mul3A_113 = arith.muli %scan3A_111, %mul3A_112 : i32
        %add3A_114 = arith.constant 0 : i32
        %add3A_115 = arith.addi %add3A_114, %mul3A_113 : i32
        %mul3A_116 = arith.constant 4 : i32
        %mul3A_117 = arith.muli %add3A_39, %mul3A_116 : i32
        %add3A_118 = arith.addi %mul3A_117, %add3A_115 : i32
        %broadcast_in_dim3A = vector.broadcast %add3A_115 : i32 to vector<16xi32>
        %get3A = arith.index_cast %add3A_118 : i32 to index
        %get3A_119 = arith.constant 0 : index
        %get3A_120 = tpu.vector_load %arg9[%get3A, %get3A_119] {strides = array<i32>} : memref<96x64xf32, #tpu.memory_space<vmem>>, vector<16xf32>,
        %convert_element_type3A_121 = arith.fptosi %get3A_120 : vector<16xf32> to vector<16xi32>
        %convert_element_type3A_122 = arith.sitofp %convert_element_type3A_121 : vector<16xi32> to vector<16xf32>
        %sub3A = arith.subf %get3A_120, %convert_element_type3A_122 : vector<16xf32>
        %gather3A = tpu.vector_load_idx %arg5[%broadcast_in_dim3A, %convert_element_type3A_121] : memref<4x4096xf32, #tpu.memory_space<vmem>>[vector<16xi32>, vector<16xi32>], vector<16xf32>,
        %add3A_123 = arith.constant 1 : i32
        %add3A_124 = vector.broadcast %add3A_123 : i32 to vector<16xi32>
        %add3A_125 = arith.addi %convert_element_type3A_121, %add3A_124 : vector<16xi32>
        %gather3A_126 = tpu.vector_load_idx %arg5[%broadcast_in_dim3A, %add3A_125] : memref<4x4096xf32, #tpu.memory_space<vmem>>[vector<16xi32>, vector<16xi32>], vector<16xf32>,
        %sub3A_127 = arith.constant 1.000000e+00 : f32
        %sub3A_128 = vector.broadcast %sub3A_127 : f32 to vector<16xf32>
        %sub3A_129 = arith.subf %sub3A_128, %sub3A : vector<16xf32>
        %mul3A_130 = arith.mulf %gather3A, %sub3A_129 : vector<16xf32>
        %mul3A_131 = arith.mulf %gather3A_126, %sub3A : vector<16xf32>
        %add3A_132 = arith.addf %mul3A_130, %mul3A_131 : vector<16xf32>
        %swap3A = arith.index_cast %add3A_118 : i32 to index
        %swap3A_133 = arith.constant 0 : index
        %swap3A_134 = tpu.vector_load %arg10[%swap3A, %swap3A_133] {strides = array<i32>} : memref<96x64xf32, #tpu.memory_space<vmem>>, vector<16xf32>,
        tpu.vector_store %arg10[%swap3A, %swap3A_133], %add3A_132 {strides = array<i32>} : memref<96x64xf32, #tpu.memory_space<vmem>>, vector<16xf32>,
        %get3A_135 = arith.index_cast %add3A_118 : i32 to index
        %get3A_136 = arith.constant 16 : index
        %get3A_137 = tpu.vector_load %arg9[%get3A_135, %get3A_136] {strides = array<i32>} : memref<96x64xf32, #tpu.memory_space<vmem>>, vector<16xf32>,
        %convert_element_type3A_138 = arith.fptosi %get3A_137 : vector<16xf32> to vector<16xi32>
        %convert_element_type3A_139 = arith.sitofp %convert_element_type3A_138 : vector<16xi32> to vector<16xf32>
        %sub3A_140 = arith.subf %get3A_137, %convert_element_type3A_139 : vector<16xf32>
        %gather3A_141 = tpu.vector_load_idx %arg5[%broadcast_in_dim3A, %convert_element_type3A_138] : memref<4x4096xf32, #tpu.memory_space<vmem>>[vector<16xi32>, vector<16xi32>], vector<16xf32>,
        %add3A_142 = arith.constant 1 : i32
        %add3A_143 = vector.broadcast %add3A_142 : i32 to vector<16xi32>
        %add3A_144 = arith.addi %convert_element_type3A_138, %add3A_143 : vector<16xi32>
        %gather3A_145 = tpu.vector_load_idx %arg5[%broadcast_in_dim3A, %add3A_144] : memref<4x4096xf32, #tpu.memory_space<vmem>>[vector<16xi32>, vector<16xi32>], vector<16xf32>,
        %sub3A_146 = arith.constant 1.000000e+00 : f32
        %sub3A_147 = vector.broadcast %sub3A_146 : f32 to vector<16xf32>
        %sub3A_148 = arith.subf %sub3A_147, %sub3A_140 : vector<16xf32>
        %mul3A_149 = arith.mulf %gather3A_141, %sub3A_148 : vector<16xf32>
        %mul3A_150 = arith.mulf %gather3A_145, %sub3A_140 : vector<16xf32>
        %add3A_151 = arith.addf %mul3A_149, %mul3A_150 : vector<16xf32>
        %swap3A_152 = arith.index_cast %add3A_118 : i32 to index
        %swap3A_153 = arith.constant 16 : index
        %swap3A_154 = tpu.vector_load %arg10[%swap3A_152, %swap3A_153] {strides = array<i32>} : memref<96x64xf32, #tpu.memory_space<vmem>>, vector<16xf32>,
        tpu.vector_store %arg10[%swap3A_152, %swap3A_153], %add3A_151 {strides = array<i32>} : memref<96x64xf32, #tpu.memory_space<vmem>>, vector<16xf32>,
        %get3A_155 = arith.index_cast %add3A_118 : i32 to index
        %get3A_156 = arith.constant 32 : index
        %get3A_157 = tpu.vector_load %arg9[%get3A_155, %get3A_156] {strides = array<i32>} : memref<96x64xf32, #tpu.memory_space<vmem>>, vector<16xf32>,
        %convert_element_type3A_158 = arith.fptosi %get3A_157 : vector<16xf32> to vector<16xi32>
        %convert_element_type3A_159 = arith.sitofp %convert_element_type3A_158 : vector<16xi32> to vector<16xf32>
        %sub3A_160 = arith.subf %get3A_157, %convert_element_type3A_159 : vector<16xf32>
        %gather3A_161 = tpu.vector_load_idx %arg5[%broadcast_in_dim3A, %convert_element_type3A_158] : memref<4x4096xf32, #tpu.memory_space<vmem>>[vector<16xi32>, vector<16xi32>], vector<16xf32>,
        %add3A_162 = arith.constant 1 : i32
        %add3A_163 = vector.broadcast %add3A_162 : i32 to vector<16xi32>
        %add3A_164 = arith.addi %convert_element_type3A_158, %add3A_163 : vector<16xi32>
        %gather3A_165 = tpu.vector_load_idx %arg5[%broadcast_in_dim3A, %add3A_164] : memref<4x4096xf32, #tpu.memory_space<vmem>>[vector<16xi32>, vector<16xi32>], vector<16xf32>,
        %sub3A_166 = arith.constant 1.000000e+00 : f32
        %sub3A_167 = vector.broadcast %sub3A_166 : f32 to vector<16xf32>
        %sub3A_168 = arith.subf %sub3A_167, %sub3A_160 : vector<16xf32>
        %mul3A_169 = arith.mulf %gather3A_161, %sub3A_168 : vector<16xf32>
        %mul3A_170 = arith.mulf %gather3A_165, %sub3A_160 : vector<16xf32>
        %add3A_171 = arith.addf %mul3A_169, %mul3A_170 : vector<16xf32>
        %swap3A_172 = arith.index_cast %add3A_118 : i32 to index
        %swap3A_173 = arith.constant 32 : index
        %swap3A_174 = tpu.vector_load %arg10[%swap3A_172, %swap3A_173] {strides = array<i32>} : memref<96x64xf32, #tpu.memory_space<vmem>>, vector<16xf32>,
        tpu.vector_store %arg10[%swap3A_172, %swap3A_173], %add3A_171 {strides = array<i32>} : memref<96x64xf32, #tpu.memory_space<vmem>>, vector<16xf32>,
        %get3A_175 = arith.index_cast %add3A_118 : i32 to index
        %get3A_176 = arith.constant 48 : index
        %get3A_177 = tpu.vector_load %arg9[%get3A_175, %get3A_176] {strides = array<i32>} : memref<96x64xf32, #tpu.memory_space<vmem>>, vector<16xf32>,
        %convert_element_type3A_178 = arith.fptosi %get3A_177 : vector<16xf32> to vector<16xi32>
        %convert_element_type3A_179 = arith.sitofp %convert_element_type3A_178 : vector<16xi32> to vector<16xf32>
        %sub3A_180 = arith.subf %get3A_177, %convert_element_type3A_179 : vector<16xf32>
        %gather3A_181 = tpu.vector_load_idx %arg5[%broadcast_in_dim3A, %convert_element_type3A_178] : memref<4x4096xf32, #tpu.memory_space<vmem>>[vector<16xi32>, vector<16xi32>], vector<16xf32>,
        %add3A_182 = arith.constant 1 : i32
        %add3A_183 = vector.broadcast %add3A_182 : i32 to vector<16xi32>
        %add3A_184 = arith.addi %convert_element_type3A_178, %add3A_183 : vector<16xi32>
        %gather3A_185 = tpu.vector_load_idx %arg5[%broadcast_in_dim3A, %add3A_184] : memref<4x4096xf32, #tpu.memory_space<vmem>>[vector<16xi32>, vector<16xi32>], vector<16xf32>,
        %sub3A_186 = arith.constant 1.000000e+00 : f32
        %sub3A_187 = vector.broadcast %sub3A_186 : f32 to vector<16xf32>
        %sub3A_188 = arith.subf %sub3A_187, %sub3A_180 : vector<16xf32>
        %mul3A_189 = arith.mulf %gather3A_181, %sub3A_188 : vector<16xf32>
        %mul3A_190 = arith.mulf %gather3A_185, %sub3A_180 : vector<16xf32>
        %add3A_191 = arith.addf %mul3A_189, %mul3A_190 : vector<16xf32>
        %swap3A_192 = arith.index_cast %add3A_118 : i32 to index
        %swap3A_193 = arith.constant 48 : index
        %swap3A_194 = tpu.vector_load %arg10[%swap3A_192, %swap3A_193] {strides = array<i32>} : memref<96x64xf32, #tpu.memory_space<vmem>>, vector<16xf32>,
        tpu.vector_store %arg10[%swap3A_192, %swap3A_193], %add3A_191 {strides = array<i32>} : memref<96x64xf32, #tpu.memory_space<vmem>>, vector<16xf32>,
      }
      %scan3A_44 = arith.constant 4 : i32
      %add3A_45 = arith.constant 0 : i32
      %add3A_46 = arith.addi %add3A_34, %add3A_45 : i32
      %add3A_47 = arith.constant 4 : i32
      %add3A_48 = arith.addi %add3A_46, %add3A_47 : i32
      %lt3A = arith.constant 24 : i32
      %lt3A_49 = arith.cmpi slt, %add3A_48, %lt3A : i32
      %convert_element_type3A = arith.extui %lt3A_49 : i1 to i32
      %cond3A = arith.constant 0 : i32
      %cond3A_50 = arith.cmpi ne, %convert_element_type3A, %cond3A : i32
      scf.if %cond3A_50 {
        %add3A_111 = arith.constant 0 : i32
        %add3A_112 = arith.addi %add3A_34, %add3A_111 : i32
        %add3A_113 = arith.constant 4 : i32
        %add3A_114 = arith.addi %add3A_112, %add3A_113 : i32
        %mul3A_115 = arith.constant 4 : i32
        %mul3A_116 = arith.muli %add3A_114, %mul3A_115 : i32
        %add3A_117 = arith.addi %mul3A_2, %mul3A_116 : i32
        %dma_start3A_118 = arith.constant 0 : i32
        %dma_start3A_119 = tpu.memref_slice %arg2[%add3A_117, %dma_start3A_118] : memref<4096x4096xf32, #tpu.memory_space<hbm>> -> memref<4x4096xf32, #tpu.memory_space<hbm>>
        %dma_start3A_120 = arith.constant 0 : i32
        %dma_start3A_121 = tpu.memref_slice %arg2[%add3A_117, %dma_start3A_120] : memref<4096x4096xf32, #tpu.memory_space<hbm>> -> memref<4x4096xf32, #tpu.memory_space<hbm>>
        tpu.enqueue_dma source(%dma_start3A_121 : memref<4x4096xf32, #tpu.memory_space<hbm>>) target(%arg5 : memref<4x4096xf32, #tpu.memory_space<vmem>>) target_semaphore(%arg11 : memref<!tpu.dma_semaphore, #tpu.memory_space<semaphore_mem>>)
      } else {
      }
      %dma_wait3A_51 = arith.constant 0 : i32
      %dma_wait3A_52 = tpu.memref_slice %arg2[%mul3A_2, %dma_wait3A_51] : memref<4096x4096xf32, #tpu.memory_space<hbm>> -> memref<4x4096xf32, #tpu.memory_space<hbm>>
      %dma_wait3A_53 = arith.constant 0 : i32
      %dma_wait3A_54 = tpu.memref_slice %arg2[%mul3A_2, %dma_wait3A_53] : memref<4096x4096xf32, #tpu.memory_space<hbm>> -> memref<4x4096xf32, #tpu.memory_space<hbm>>
      tpu.wait_dma2 semaphore(%arg12 : memref<!tpu.dma_semaphore, #tpu.memory_space<semaphore_mem>>) src(%dma_wait3A_54 : memref<4x4096xf32, #tpu.memory_space<hbm>>) dst(%arg6 : memref<4x4096xf32, #tpu.memory_space<vmem>>)
      %add3A_55 = arith.constant 1 : i32
      %add3A_56 = arith.addi %add3A_34, %add3A_55 : i32
      %scan3A_57 = arith.constant 0 : i32
      %scan3A_58 = arith.constant 4 : i32
      %scan3A_59 = arith.addi %scan3A_57, %scan3A_58 : i32
      %scan3A_60 = arith.constant 1 : i32
      scf.for %scan3A_111 = %scan3A_57 to %scan3A_59 step %scan3A_60  : i32 {
        %mul3A_112 = arith.constant 1 : i32
        %mul3A_113 = arith.muli %scan3A_111, %mul3A_112 : i32
        %add3A_114 = arith.constant 0 : i32
        %add3A_115 = arith.addi %add3A_114, %mul3A_113 : i32
        %mul3A_116 = arith.constant 4 : i32
        %mul3A_117 = arith.muli %add3A_56, %mul3A_116 : i32
        %add3A_118 = arith.addi %mul3A_117, %add3A_115 : i32
        %broadcast_in_dim3A = vector.broadcast %add3A_115 : i32 to vector<16xi32>
        %get3A = arith.index_cast %add3A_118 : i32 to index
        %get3A_119 = arith.constant 0 : index
        %get3A_120 = tpu.vector_load %arg9[%get3A, %get3A_119] {strides = array<i32>} : memref<96x64xf32, #tpu.memory_space<vmem>>, vector<16xf32>,
        %convert_element_type3A_121 = arith.fptosi %get3A_120 : vector<16xf32> to vector<16xi32>
        %convert_element_type3A_122 = arith.sitofp %convert_element_type3A_121 : vector<16xi32> to vector<16xf32>
        %sub3A = arith.subf %get3A_120, %convert_element_type3A_122 : vector<16xf32>
        %gather3A = tpu.vector_load_idx %arg6[%broadcast_in_dim3A, %convert_element_type3A_121] : memref<4x4096xf32, #tpu.memory_space<vmem>>[vector<16xi32>, vector<16xi32>], vector<16xf32>,
        %add3A_123 = arith.constant 1 : i32
        %add3A_124 = vector.broadcast %add3A_123 : i32 to vector<16xi32>
        %add3A_125 = arith.addi %convert_element_type3A_121, %add3A_124 : vector<16xi32>
        %gather3A_126 = tpu.vector_load_idx %arg6[%broadcast_in_dim3A, %add3A_125] : memref<4x4096xf32, #tpu.memory_space<vmem>>[vector<16xi32>, vector<16xi32>], vector<16xf32>,
        %sub3A_127 = arith.constant 1.000000e+00 : f32
        %sub3A_128 = vector.broadcast %sub3A_127 : f32 to vector<16xf32>
        %sub3A_129 = arith.subf %sub3A_128, %sub3A : vector<16xf32>
        %mul3A_130 = arith.mulf %gather3A, %sub3A_129 : vector<16xf32>
        %mul3A_131 = arith.mulf %gather3A_126, %sub3A : vector<16xf32>
        %add3A_132 = arith.addf %mul3A_130, %mul3A_131 : vector<16xf32>
        %swap3A = arith.index_cast %add3A_118 : i32 to index
        %swap3A_133 = arith.constant 0 : index
        %swap3A_134 = tpu.vector_load %arg10[%swap3A, %swap3A_133] {strides = array<i32>} : memref<96x64xf32, #tpu.memory_space<vmem>>, vector<16xf32>,
        tpu.vector_store %arg10[%swap3A, %swap3A_133], %add3A_132 {strides = array<i32>} : memref<96x64xf32, #tpu.memory_space<vmem>>, vector<16xf32>,
        %get3A_135 = arith.index_cast %add3A_118 : i32 to index
        %get3A_136 = arith.constant 16 : index
        %get3A_137 = tpu.vector_load %arg9[%get3A_135, %get3A_136] {strides = array<i32>} : memref<96x64xf32, #tpu.memory_space<vmem>>, vector<16xf32>,
        %convert_element_type3A_138 = arith.fptosi %get3A_137 : vector<16xf32> to vector<16xi32>
        %convert_element_type3A_139 = arith.sitofp %convert_element_type3A_138 : vector<16xi32> to vector<16xf32>
        %sub3A_140 = arith.subf %get3A_137, %convert_element_type3A_139 : vector<16xf32>
        %gather3A_141 = tpu.vector_load_idx %arg6[%broadcast_in_dim3A, %convert_element_type3A_138] : memref<4x4096xf32, #tpu.memory_space<vmem>>[vector<16xi32>, vector<16xi32>], vector<16xf32>,
        %add3A_142 = arith.constant 1 : i32
        %add3A_143 = vector.broadcast %add3A_142 : i32 to vector<16xi32>
        %add3A_144 = arith.addi %convert_element_type3A_138, %add3A_143 : vector<16xi32>
        %gather3A_145 = tpu.vector_load_idx %arg6[%broadcast_in_dim3A, %add3A_144] : memref<4x4096xf32, #tpu.memory_space<vmem>>[vector<16xi32>, vector<16xi32>], vector<16xf32>,
        %sub3A_146 = arith.constant 1.000000e+00 : f32
        %sub3A_147 = vector.broadcast %sub3A_146 : f32 to vector<16xf32>
        %sub3A_148 = arith.subf %sub3A_147, %sub3A_140 : vector<16xf32>
        %mul3A_149 = arith.mulf %gather3A_141, %sub3A_148 : vector<16xf32>
        %mul3A_150 = arith.mulf %gather3A_145, %sub3A_140 : vector<16xf32>
        %add3A_151 = arith.addf %mul3A_149, %mul3A_150 : vector<16xf32>
        %swap3A_152 = arith.index_cast %add3A_118 : i32 to index
        %swap3A_153 = arith.constant 16 : index
        %swap3A_154 = tpu.vector_load %arg10[%swap3A_152, %swap3A_153] {strides = array<i32>} : memref<96x64xf32, #tpu.memory_space<vmem>>, vector<16xf32>,
        tpu.vector_store %arg10[%swap3A_152, %swap3A_153], %add3A_151 {strides = array<i32>} : memref<96x64xf32, #tpu.memory_space<vmem>>, vector<16xf32>,
        %get3A_155 = arith.index_cast %add3A_118 : i32 to index
        %get3A_156 = arith.constant 32 : index
        %get3A_157 = tpu.vector_load %arg9[%get3A_155, %get3A_156] {strides = array<i32>} : memref<96x64xf32, #tpu.memory_space<vmem>>, vector<16xf32>,
        %convert_element_type3A_158 = arith.fptosi %get3A_157 : vector<16xf32> to vector<16xi32>
        %convert_element_type3A_159 = arith.sitofp %convert_element_type3A_158 : vector<16xi32> to vector<16xf32>
        %sub3A_160 = arith.subf %get3A_157, %convert_element_type3A_159 : vector<16xf32>
        %gather3A_161 = tpu.vector_load_idx %arg6[%broadcast_in_dim3A, %convert_element_type3A_158] : memref<4x4096xf32, #tpu.memory_space<vmem>>[vector<16xi32>, vector<16xi32>], vector<16xf32>,
        %add3A_162 = arith.constant 1 : i32
        %add3A_163 = vector.broadcast %add3A_162 : i32 to vector<16xi32>
        %add3A_164 = arith.addi %convert_element_type3A_158, %add3A_163 : vector<16xi32>
        %gather3A_165 = tpu.vector_load_idx %arg6[%broadcast_in_dim3A, %add3A_164] : memref<4x4096xf32, #tpu.memory_space<vmem>>[vector<16xi32>, vector<16xi32>], vector<16xf32>,
        %sub3A_166 = arith.constant 1.000000e+00 : f32
        %sub3A_167 = vector.broadcast %sub3A_166 : f32 to vector<16xf32>
        %sub3A_168 = arith.subf %sub3A_167, %sub3A_160 : vector<16xf32>
        %mul3A_169 = arith.mulf %gather3A_161, %sub3A_168 : vector<16xf32>
        %mul3A_170 = arith.mulf %gather3A_165, %sub3A_160 : vector<16xf32>
        %add3A_171 = arith.addf %mul3A_169, %mul3A_170 : vector<16xf32>
        %swap3A_172 = arith.index_cast %add3A_118 : i32 to index
        %swap3A_173 = arith.constant 32 : index
        %swap3A_174 = tpu.vector_load %arg10[%swap3A_172, %swap3A_173] {strides = array<i32>} : memref<96x64xf32, #tpu.memory_space<vmem>>, vector<16xf32>,
        tpu.vector_store %arg10[%swap3A_172, %swap3A_173], %add3A_171 {strides = array<i32>} : memref<96x64xf32, #tpu.memory_space<vmem>>, vector<16xf32>,
        %get3A_175 = arith.index_cast %add3A_118 : i32 to index
        %get3A_176 = arith.constant 48 : index
        %get3A_177 = tpu.vector_load %arg9[%get3A_175, %get3A_176] {strides = array<i32>} : memref<96x64xf32, #tpu.memory_space<vmem>>, vector<16xf32>,
        %convert_element_type3A_178 = arith.fptosi %get3A_177 : vector<16xf32> to vector<16xi32>
        %convert_element_type3A_179 = arith.sitofp %convert_element_type3A_178 : vector<16xi32> to vector<16xf32>
        %sub3A_180 = arith.subf %get3A_177, %convert_element_type3A_179 : vector<16xf32>
        %gather3A_181 = tpu.vector_load_idx %arg6[%broadcast_in_dim3A, %convert_element_type3A_178] : memref<4x4096xf32, #tpu.memory_space<vmem>>[vector<16xi32>, vector<16xi32>], vector<16xf32>,
        %add3A_182 = arith.constant 1 : i32
        %add3A_183 = vector.broadcast %add3A_182 : i32 to vector<16xi32>
        %add3A_184 = arith.addi %convert_element_type3A_178, %add3A_183 : vector<16xi32>
        %gather3A_185 = tpu.vector_load_idx %arg6[%broadcast_in_dim3A, %add3A_184] : memref<4x4096xf32, #tpu.memory_space<vmem>>[vector<16xi32>, vector<16xi32>], vector<16xf32>,
        %sub3A_186 = arith.constant 1.000000e+00 : f32
        %sub3A_187 = vector.broadcast %sub3A_186 : f32 to vector<16xf32>
        %sub3A_188 = arith.subf %sub3A_187, %sub3A_180 : vector<16xf32>
        %mul3A_189 = arith.mulf %gather3A_181, %sub3A_188 : vector<16xf32>
        %mul3A_190 = arith.mulf %gather3A_185, %sub3A_180 : vector<16xf32>
        %add3A_191 = arith.addf %mul3A_189, %mul3A_190 : vector<16xf32>
        %swap3A_192 = arith.index_cast %add3A_118 : i32 to index
        %swap3A_193 = arith.constant 48 : index
        %swap3A_194 = tpu.vector_load %arg10[%swap3A_192, %swap3A_193] {strides = array<i32>} : memref<96x64xf32, #tpu.memory_space<vmem>>, vector<16xf32>,
        tpu.vector_store %arg10[%swap3A_192, %swap3A_193], %add3A_191 {strides = array<i32>} : memref<96x64xf32, #tpu.memory_space<vmem>>, vector<16xf32>,
      }
      %scan3A_61 = arith.constant 4 : i32
      %add3A_62 = arith.constant 1 : i32
      %add3A_63 = arith.addi %add3A_34, %add3A_62 : i32
      %add3A_64 = arith.constant 4 : i32
      %add3A_65 = arith.addi %add3A_63, %add3A_64 : i32
      %lt3A_66 = arith.constant 24 : i32
      %lt3A_67 = arith.cmpi slt, %add3A_65, %lt3A_66 : i32
      %convert_element_type3A_68 = arith.extui %lt3A_67 : i1 to i32
      %cond3A_69 = arith.constant 0 : i32
      %cond3A_70 = arith.cmpi ne, %convert_element_type3A_68, %cond3A_69 : i32
      scf.if %cond3A_70 {
        %add3A_111 = arith.constant 1 : i32
        %add3A_112 = arith.addi %add3A_34, %add3A_111 : i32
        %add3A_113 = arith.constant 4 : i32
        %add3A_114 = arith.addi %add3A_112, %add3A_113 : i32
        %mul3A_115 = arith.constant 4 : i32
        %mul3A_116 = arith.muli %add3A_114, %mul3A_115 : i32
        %add3A_117 = arith.addi %mul3A_2, %mul3A_116 : i32
        %dma_start3A_118 = arith.constant 0 : i32
        %dma_start3A_119 = tpu.memref_slice %arg2[%add3A_117, %dma_start3A_118] : memref<4096x4096xf32, #tpu.memory_space<hbm>> -> memref<4x4096xf32, #tpu.memory_space<hbm>>
        %dma_start3A_120 = arith.constant 0 : i32
        %dma_start3A_121 = tpu.memref_slice %arg2[%add3A_117, %dma_start3A_120] : memref<4096x4096xf32, #tpu.memory_space<hbm>> -> memref<4x4096xf32, #tpu.memory_space<hbm>>
        tpu.enqueue_dma source(%dma_start3A_121 : memref<4x4096xf32, #tpu.memory_space<hbm>>) target(%arg6 : memref<4x4096xf32, #tpu.memory_space<vmem>>) target_semaphore(%arg12 : memref<!tpu.dma_semaphore, #tpu.memory_space<semaphore_mem>>)
      } else {
      }
      %dma_wait3A_71 = arith.constant 0 : i32
      %dma_wait3A_72 = tpu.memref_slice %arg2[%mul3A_2, %dma_wait3A_71] : memref<4096x4096xf32, #tpu.memory_space<hbm>> -> memref<4x4096xf32, #tpu.memory_space<hbm>>
      %dma_wait3A_73 = arith.constant 0 : i32
      %dma_wait3A_74 = tpu.memref_slice %arg2[%mul3A_2, %dma_wait3A_73] : memref<4096x4096xf32, #tpu.memory_space<hbm>> -> memref<4x4096xf32, #tpu.memory_space<hbm>>
      tpu.wait_dma2 semaphore(%arg13 : memref<!tpu.dma_semaphore, #tpu.memory_space<semaphore_mem>>) src(%dma_wait3A_74 : memref<4x4096xf32, #tpu.memory_space<hbm>>) dst(%arg7 : memref<4x4096xf32, #tpu.memory_space<vmem>>)
      %add3A_75 = arith.constant 2 : i32
      %add3A_76 = arith.addi %add3A_34, %add3A_75 : i32
      %scan3A_77 = arith.constant 0 : i32
      %scan3A_78 = arith.constant 4 : i32
      %scan3A_79 = arith.addi %scan3A_77, %scan3A_78 : i32
      %scan3A_80 = arith.constant 1 : i32
      scf.for %scan3A_111 = %scan3A_77 to %scan3A_79 step %scan3A_80  : i32 {
        %mul3A_112 = arith.constant 1 : i32
        %mul3A_113 = arith.muli %scan3A_111, %mul3A_112 : i32
        %add3A_114 = arith.constant 0 : i32
        %add3A_115 = arith.addi %add3A_114, %mul3A_113 : i32
        %mul3A_116 = arith.constant 4 : i32
        %mul3A_117 = arith.muli %add3A_76, %mul3A_116 : i32
        %add3A_118 = arith.addi %mul3A_117, %add3A_115 : i32
        %broadcast_in_dim3A = vector.broadcast %add3A_115 : i32 to vector<16xi32>
        %get3A = arith.index_cast %add3A_118 : i32 to index
        %get3A_119 = arith.constant 0 : index
        %get3A_120 = tpu.vector_load %arg9[%get3A, %get3A_119] {strides = array<i32>} : memref<96x64xf32, #tpu.memory_space<vmem>>, vector<16xf32>,
        %convert_element_type3A_121 = arith.fptosi %get3A_120 : vector<16xf32> to vector<16xi32>
        %convert_element_type3A_122 = arith.sitofp %convert_element_type3A_121 : vector<16xi32> to vector<16xf32>
        %sub3A = arith.subf %get3A_120, %convert_element_type3A_122 : vector<16xf32>
        %gather3A = tpu.vector_load_idx %arg7[%broadcast_in_dim3A, %convert_element_type3A_121] : memref<4x4096xf32, #tpu.memory_space<vmem>>[vector<16xi32>, vector<16xi32>], vector<16xf32>,
        %add3A_123 = arith.constant 1 : i32
        %add3A_124 = vector.broadcast %add3A_123 : i32 to vector<16xi32>
        %add3A_125 = arith.addi %convert_element_type3A_121, %add3A_124 : vector<16xi32>
        %gather3A_126 = tpu.vector_load_idx %arg7[%broadcast_in_dim3A, %add3A_125] : memref<4x4096xf32, #tpu.memory_space<vmem>>[vector<16xi32>, vector<16xi32>], vector<16xf32>,
        %sub3A_127 = arith.constant 1.000000e+00 : f32
        %sub3A_128 = vector.broadcast %sub3A_127 : f32 to vector<16xf32>
        %sub3A_129 = arith.subf %sub3A_128, %sub3A : vector<16xf32>
        %mul3A_130 = arith.mulf %gather3A, %sub3A_129 : vector<16xf32>
        %mul3A_131 = arith.mulf %gather3A_126, %sub3A : vector<16xf32>
        %add3A_132 = arith.addf %mul3A_130, %mul3A_131 : vector<16xf32>
        %swap3A = arith.index_cast %add3A_118 : i32 to index
        %swap3A_133 = arith.constant 0 : index
        %swap3A_134 = tpu.vector_load %arg10[%swap3A, %swap3A_133] {strides = array<i32>} : memref<96x64xf32, #tpu.memory_space<vmem>>, vector<16xf32>,
        tpu.vector_store %arg10[%swap3A, %swap3A_133], %add3A_132 {strides = array<i32>} : memref<96x64xf32, #tpu.memory_space<vmem>>, vector<16xf32>,
        %get3A_135 = arith.index_cast %add3A_118 : i32 to index
        %get3A_136 = arith.constant 16 : index
        %get3A_137 = tpu.vector_load %arg9[%get3A_135, %get3A_136] {strides = array<i32>} : memref<96x64xf32, #tpu.memory_space<vmem>>, vector<16xf32>,
        %convert_element_type3A_138 = arith.fptosi %get3A_137 : vector<16xf32> to vector<16xi32>
        %convert_element_type3A_139 = arith.sitofp %convert_element_type3A_138 : vector<16xi32> to vector<16xf32>
        %sub3A_140 = arith.subf %get3A_137, %convert_element_type3A_139 : vector<16xf32>
        %gather3A_141 = tpu.vector_load_idx %arg7[%broadcast_in_dim3A, %convert_element_type3A_138] : memref<4x4096xf32, #tpu.memory_space<vmem>>[vector<16xi32>, vector<16xi32>], vector<16xf32>,
        %add3A_142 = arith.constant 1 : i32
        %add3A_143 = vector.broadcast %add3A_142 : i32 to vector<16xi32>
        %add3A_144 = arith.addi %convert_element_type3A_138, %add3A_143 : vector<16xi32>
        %gather3A_145 = tpu.vector_load_idx %arg7[%broadcast_in_dim3A, %add3A_144] : memref<4x4096xf32, #tpu.memory_space<vmem>>[vector<16xi32>, vector<16xi32>], vector<16xf32>,
        %sub3A_146 = arith.constant 1.000000e+00 : f32
        %sub3A_147 = vector.broadcast %sub3A_146 : f32 to vector<16xf32>
        %sub3A_148 = arith.subf %sub3A_147, %sub3A_140 : vector<16xf32>
        %mul3A_149 = arith.mulf %gather3A_141, %sub3A_148 : vector<16xf32>
        %mul3A_150 = arith.mulf %gather3A_145, %sub3A_140 : vector<16xf32>
        %add3A_151 = arith.addf %mul3A_149, %mul3A_150 : vector<16xf32>
        %swap3A_152 = arith.index_cast %add3A_118 : i32 to index
        %swap3A_153 = arith.constant 16 : index
        %swap3A_154 = tpu.vector_load %arg10[%swap3A_152, %swap3A_153] {strides = array<i32>} : memref<96x64xf32, #tpu.memory_space<vmem>>, vector<16xf32>,
        tpu.vector_store %arg10[%swap3A_152, %swap3A_153], %add3A_151 {strides = array<i32>} : memref<96x64xf32, #tpu.memory_space<vmem>>, vector<16xf32>,
        %get3A_155 = arith.index_cast %add3A_118 : i32 to index
        %get3A_156 = arith.constant 32 : index
        %get3A_157 = tpu.vector_load %arg9[%get3A_155, %get3A_156] {strides = array<i32>} : memref<96x64xf32, #tpu.memory_space<vmem>>, vector<16xf32>,
        %convert_element_type3A_158 = arith.fptosi %get3A_157 : vector<16xf32> to vector<16xi32>
        %convert_element_type3A_159 = arith.sitofp %convert_element_type3A_158 : vector<16xi32> to vector<16xf32>
        %sub3A_160 = arith.subf %get3A_157, %convert_element_type3A_159 : vector<16xf32>
        %gather3A_161 = tpu.vector_load_idx %arg7[%broadcast_in_dim3A, %convert_element_type3A_158] : memref<4x4096xf32, #tpu.memory_space<vmem>>[vector<16xi32>, vector<16xi32>], vector<16xf32>,
        %add3A_162 = arith.constant 1 : i32
        %add3A_163 = vector.broadcast %add3A_162 : i32 to vector<16xi32>
        %add3A_164 = arith.addi %convert_element_type3A_158, %add3A_163 : vector<16xi32>
        %gather3A_165 = tpu.vector_load_idx %arg7[%broadcast_in_dim3A, %add3A_164] : memref<4x4096xf32, #tpu.memory_space<vmem>>[vector<16xi32>, vector<16xi32>], vector<16xf32>,
        %sub3A_166 = arith.constant 1.000000e+00 : f32
        %sub3A_167 = vector.broadcast %sub3A_166 : f32 to vector<16xf32>
        %sub3A_168 = arith.subf %sub3A_167, %sub3A_160 : vector<16xf32>
        %mul3A_169 = arith.mulf %gather3A_161, %sub3A_168 : vector<16xf32>
        %mul3A_170 = arith.mulf %gather3A_165, %sub3A_160 : vector<16xf32>
        %add3A_171 = arith.addf %mul3A_169, %mul3A_170 : vector<16xf32>
        %swap3A_172 = arith.index_cast %add3A_118 : i32 to index
        %swap3A_173 = arith.constant 32 : index
        %swap3A_174 = tpu.vector_load %arg10[%swap3A_172, %swap3A_173] {strides = array<i32>} : memref<96x64xf32, #tpu.memory_space<vmem>>, vector<16xf32>,
        tpu.vector_store %arg10[%swap3A_172, %swap3A_173], %add3A_171 {strides = array<i32>} : memref<96x64xf32, #tpu.memory_space<vmem>>, vector<16xf32>,
        %get3A_175 = arith.index_cast %add3A_118 : i32 to index
        %get3A_176 = arith.constant 48 : index
        %get3A_177 = tpu.vector_load %arg9[%get3A_175, %get3A_176] {strides = array<i32>} : memref<96x64xf32, #tpu.memory_space<vmem>>, vector<16xf32>,
        %convert_element_type3A_178 = arith.fptosi %get3A_177 : vector<16xf32> to vector<16xi32>
        %convert_element_type3A_179 = arith.sitofp %convert_element_type3A_178 : vector<16xi32> to vector<16xf32>
        %sub3A_180 = arith.subf %get3A_177, %convert_element_type3A_179 : vector<16xf32>
        %gather3A_181 = tpu.vector_load_idx %arg7[%broadcast_in_dim3A, %convert_element_type3A_178] : memref<4x4096xf32, #tpu.memory_space<vmem>>[vector<16xi32>, vector<16xi32>], vector<16xf32>,
        %add3A_182 = arith.constant 1 : i32
        %add3A_183 = vector.broadcast %add3A_182 : i32 to vector<16xi32>
        %add3A_184 = arith.addi %convert_element_type3A_178, %add3A_183 : vector<16xi32>
        %gather3A_185 = tpu.vector_load_idx %arg7[%broadcast_in_dim3A, %add3A_184] : memref<4x4096xf32, #tpu.memory_space<vmem>>[vector<16xi32>, vector<16xi32>], vector<16xf32>,
        %sub3A_186 = arith.constant 1.000000e+00 : f32
        %sub3A_187 = vector.broadcast %sub3A_186 : f32 to vector<16xf32>
        %sub3A_188 = arith.subf %sub3A_187, %sub3A_180 : vector<16xf32>
        %mul3A_189 = arith.mulf %gather3A_181, %sub3A_188 : vector<16xf32>
        %mul3A_190 = arith.mulf %gather3A_185, %sub3A_180 : vector<16xf32>
        %add3A_191 = arith.addf %mul3A_189, %mul3A_190 : vector<16xf32>
        %swap3A_192 = arith.index_cast %add3A_118 : i32 to index
        %swap3A_193 = arith.constant 48 : index
        %swap3A_194 = tpu.vector_load %arg10[%swap3A_192, %swap3A_193] {strides = array<i32>} : memref<96x64xf32, #tpu.memory_space<vmem>>, vector<16xf32>,
        tpu.vector_store %arg10[%swap3A_192, %swap3A_193], %add3A_191 {strides = array<i32>} : memref<96x64xf32, #tpu.memory_space<vmem>>, vector<16xf32>,
      }
      %scan3A_81 = arith.constant 4 : i32
      %add3A_82 = arith.constant 2 : i32
      %add3A_83 = arith.addi %add3A_34, %add3A_82 : i32
      %add3A_84 = arith.constant 4 : i32
      %add3A_85 = arith.addi %add3A_83, %add3A_84 : i32
      %lt3A_86 = arith.constant 24 : i32
      %lt3A_87 = arith.cmpi slt, %add3A_85, %lt3A_86 : i32
      %convert_element_type3A_88 = arith.extui %lt3A_87 : i1 to i32
      %cond3A_89 = arith.constant 0 : i32
      %cond3A_90 = arith.cmpi ne, %convert_element_type3A_88, %cond3A_89 : i32
      scf.if %cond3A_90 {
        %add3A_111 = arith.constant 2 : i32
        %add3A_112 = arith.addi %add3A_34, %add3A_111 : i32
        %add3A_113 = arith.constant 4 : i32
        %add3A_114 = arith.addi %add3A_112, %add3A_113 : i32
        %mul3A_115 = arith.constant 4 : i32
        %mul3A_116 = arith.muli %add3A_114, %mul3A_115 : i32
        %add3A_117 = arith.addi %mul3A_2, %mul3A_116 : i32
        %dma_start3A_118 = arith.constant 0 : i32
        %dma_start3A_119 = tpu.memref_slice %arg2[%add3A_117, %dma_start3A_118] : memref<4096x4096xf32, #tpu.memory_space<hbm>> -> memref<4x4096xf32, #tpu.memory_space<hbm>>
        %dma_start3A_120 = arith.constant 0 : i32
        %dma_start3A_121 = tpu.memref_slice %arg2[%add3A_117, %dma_start3A_120] : memref<4096x4096xf32, #tpu.memory_space<hbm>> -> memref<4x4096xf32, #tpu.memory_space<hbm>>
        tpu.enqueue_dma source(%dma_start3A_121 : memref<4x4096xf32, #tpu.memory_space<hbm>>) target(%arg7 : memref<4x4096xf32, #tpu.memory_space<vmem>>) target_semaphore(%arg13 : memref<!tpu.dma_semaphore, #tpu.memory_space<semaphore_mem>>)
      } else {
      }
      %dma_wait3A_91 = arith.constant 0 : i32
      %dma_wait3A_92 = tpu.memref_slice %arg2[%mul3A_2, %dma_wait3A_91] : memref<4096x4096xf32, #tpu.memory_space<hbm>> -> memref<4x4096xf32, #tpu.memory_space<hbm>>
      %dma_wait3A_93 = arith.constant 0 : i32
      %dma_wait3A_94 = tpu.memref_slice %arg2[%mul3A_2, %dma_wait3A_93] : memref<4096x4096xf32, #tpu.memory_space<hbm>> -> memref<4x4096xf32, #tpu.memory_space<hbm>>
      tpu.wait_dma2 semaphore(%arg14 : memref<!tpu.dma_semaphore, #tpu.memory_space<semaphore_mem>>) src(%dma_wait3A_94 : memref<4x4096xf32, #tpu.memory_space<hbm>>) dst(%arg8 : memref<4x4096xf32, #tpu.memory_space<vmem>>)
      %add3A_95 = arith.constant 3 : i32
      %add3A_96 = arith.addi %add3A_34, %add3A_95 : i32
      %scan3A_97 = arith.constant 0 : i32
      %scan3A_98 = arith.constant 4 : i32
      %scan3A_99 = arith.addi %scan3A_97, %scan3A_98 : i32
      %scan3A_100 = arith.constant 1 : i32
      scf.for %scan3A_111 = %scan3A_97 to %scan3A_99 step %scan3A_100  : i32 {
        %mul3A_112 = arith.constant 1 : i32
        %mul3A_113 = arith.muli %scan3A_111, %mul3A_112 : i32
        %add3A_114 = arith.constant 0 : i32
        %add3A_115 = arith.addi %add3A_114, %mul3A_113 : i32
        %mul3A_116 = arith.constant 4 : i32
        %mul3A_117 = arith.muli %add3A_96, %mul3A_116 : i32
        %add3A_118 = arith.addi %mul3A_117, %add3A_115 : i32
        %broadcast_in_dim3A = vector.broadcast %add3A_115 : i32 to vector<16xi32>
        %get3A = arith.index_cast %add3A_118 : i32 to index
        %get3A_119 = arith.constant 0 : index
        %get3A_120 = tpu.vector_load %arg9[%get3A, %get3A_119] {strides = array<i32>} : memref<96x64xf32, #tpu.memory_space<vmem>>, vector<16xf32>,
        %convert_element_type3A_121 = arith.fptosi %get3A_120 : vector<16xf32> to vector<16xi32>
        %convert_element_type3A_122 = arith.sitofp %convert_element_type3A_121 : vector<16xi32> to vector<16xf32>
        %sub3A = arith.subf %get3A_120, %convert_element_type3A_122 : vector<16xf32>
        %gather3A = tpu.vector_load_idx %arg8[%broadcast_in_dim3A, %convert_element_type3A_121] : memref<4x4096xf32, #tpu.memory_space<vmem>>[vector<16xi32>, vector<16xi32>], vector<16xf32>,
        %add3A_123 = arith.constant 1 : i32
        %add3A_124 = vector.broadcast %add3A_123 : i32 to vector<16xi32>
        %add3A_125 = arith.addi %convert_element_type3A_121, %add3A_124 : vector<16xi32>
        %gather3A_126 = tpu.vector_load_idx %arg8[%broadcast_in_dim3A, %add3A_125] : memref<4x4096xf32, #tpu.memory_space<vmem>>[vector<16xi32>, vector<16xi32>], vector<16xf32>,
        %sub3A_127 = arith.constant 1.000000e+00 : f32
        %sub3A_128 = vector.broadcast %sub3A_127 : f32 to vector<16xf32>
        %sub3A_129 = arith.subf %sub3A_128, %sub3A : vector<16xf32>
        %mul3A_130 = arith.mulf %gather3A, %sub3A_129 : vector<16xf32>
        %mul3A_131 = arith.mulf %gather3A_126, %sub3A : vector<16xf32>
        %add3A_132 = arith.addf %mul3A_130, %mul3A_131 : vector<16xf32>
        %swap3A = arith.index_cast %add3A_118 : i32 to index
        %swap3A_133 = arith.constant 0 : index
        %swap3A_134 = tpu.vector_load %arg10[%swap3A, %swap3A_133] {strides = array<i32>} : memref<96x64xf32, #tpu.memory_space<vmem>>, vector<16xf32>,
        tpu.vector_store %arg10[%swap3A, %swap3A_133], %add3A_132 {strides = array<i32>} : memref<96x64xf32, #tpu.memory_space<vmem>>, vector<16xf32>,
        %get3A_135 = arith.index_cast %add3A_118 : i32 to index
        %get3A_136 = arith.constant 16 : index
        %get3A_137 = tpu.vector_load %arg9[%get3A_135, %get3A_136] {strides = array<i32>} : memref<96x64xf32, #tpu.memory_space<vmem>>, vector<16xf32>,
        %convert_element_type3A_138 = arith.fptosi %get3A_137 : vector<16xf32> to vector<16xi32>
        %convert_element_type3A_139 = arith.sitofp %convert_element_type3A_138 : vector<16xi32> to vector<16xf32>
        %sub3A_140 = arith.subf %get3A_137, %convert_element_type3A_139 : vector<16xf32>
        %gather3A_141 = tpu.vector_load_idx %arg8[%broadcast_in_dim3A, %convert_element_type3A_138] : memref<4x4096xf32, #tpu.memory_space<vmem>>[vector<16xi32>, vector<16xi32>], vector<16xf32>,
        %add3A_142 = arith.constant 1 : i32
        %add3A_143 = vector.broadcast %add3A_142 : i32 to vector<16xi32>
        %add3A_144 = arith.addi %convert_element_type3A_138, %add3A_143 : vector<16xi32>
        %gather3A_145 = tpu.vector_load_idx %arg8[%broadcast_in_dim3A, %add3A_144] : memref<4x4096xf32, #tpu.memory_space<vmem>>[vector<16xi32>, vector<16xi32>], vector<16xf32>,
        %sub3A_146 = arith.constant 1.000000e+00 : f32
        %sub3A_147 = vector.broadcast %sub3A_146 : f32 to vector<16xf32>
        %sub3A_148 = arith.subf %sub3A_147, %sub3A_140 : vector<16xf32>
        %mul3A_149 = arith.mulf %gather3A_141, %sub3A_148 : vector<16xf32>
        %mul3A_150 = arith.mulf %gather3A_145, %sub3A_140 : vector<16xf32>
        %add3A_151 = arith.addf %mul3A_149, %mul3A_150 : vector<16xf32>
        %swap3A_152 = arith.index_cast %add3A_118 : i32 to index
        %swap3A_153 = arith.constant 16 : index
        %swap3A_154 = tpu.vector_load %arg10[%swap3A_152, %swap3A_153] {strides = array<i32>} : memref<96x64xf32, #tpu.memory_space<vmem>>, vector<16xf32>,
        tpu.vector_store %arg10[%swap3A_152, %swap3A_153], %add3A_151 {strides = array<i32>} : memref<96x64xf32, #tpu.memory_space<vmem>>, vector<16xf32>,
        %get3A_155 = arith.index_cast %add3A_118 : i32 to index
        %get3A_156 = arith.constant 32 : index
        %get3A_157 = tpu.vector_load %arg9[%get3A_155, %get3A_156] {strides = array<i32>} : memref<96x64xf32, #tpu.memory_space<vmem>>, vector<16xf32>,
        %convert_element_type3A_158 = arith.fptosi %get3A_157 : vector<16xf32> to vector<16xi32>
        %convert_element_type3A_159 = arith.sitofp %convert_element_type3A_158 : vector<16xi32> to vector<16xf32>
        %sub3A_160 = arith.subf %get3A_157, %convert_element_type3A_159 : vector<16xf32>
        %gather3A_161 = tpu.vector_load_idx %arg8[%broadcast_in_dim3A, %convert_element_type3A_158] : memref<4x4096xf32, #tpu.memory_space<vmem>>[vector<16xi32>, vector<16xi32>], vector<16xf32>,
        %add3A_162 = arith.constant 1 : i32
        %add3A_163 = vector.broadcast %add3A_162 : i32 to vector<16xi32>
        %add3A_164 = arith.addi %convert_element_type3A_158, %add3A_163 : vector<16xi32>
        %gather3A_165 = tpu.vector_load_idx %arg8[%broadcast_in_dim3A, %add3A_164] : memref<4x4096xf32, #tpu.memory_space<vmem>>[vector<16xi32>, vector<16xi32>], vector<16xf32>,
        %sub3A_166 = arith.constant 1.000000e+00 : f32
        %sub3A_167 = vector.broadcast %sub3A_166 : f32 to vector<16xf32>
        %sub3A_168 = arith.subf %sub3A_167, %sub3A_160 : vector<16xf32>
        %mul3A_169 = arith.mulf %gather3A_161, %sub3A_168 : vector<16xf32>
        %mul3A_170 = arith.mulf %gather3A_165, %sub3A_160 : vector<16xf32>
        %add3A_171 = arith.addf %mul3A_169, %mul3A_170 : vector<16xf32>
        %swap3A_172 = arith.index_cast %add3A_118 : i32 to index
        %swap3A_173 = arith.constant 32 : index
        %swap3A_174 = tpu.vector_load %arg10[%swap3A_172, %swap3A_173] {strides = array<i32>} : memref<96x64xf32, #tpu.memory_space<vmem>>, vector<16xf32>,
        tpu.vector_store %arg10[%swap3A_172, %swap3A_173], %add3A_171 {strides = array<i32>} : memref<96x64xf32, #tpu.memory_space<vmem>>, vector<16xf32>,
        %get3A_175 = arith.index_cast %add3A_118 : i32 to index
        %get3A_176 = arith.constant 48 : index
        %get3A_177 = tpu.vector_load %arg9[%get3A_175, %get3A_176] {strides = array<i32>} : memref<96x64xf32, #tpu.memory_space<vmem>>, vector<16xf32>,
        %convert_element_type3A_178 = arith.fptosi %get3A_177 : vector<16xf32> to vector<16xi32>
        %convert_element_type3A_179 = arith.sitofp %convert_element_type3A_178 : vector<16xi32> to vector<16xf32>
        %sub3A_180 = arith.subf %get3A_177, %convert_element_type3A_179 : vector<16xf32>
        %gather3A_181 = tpu.vector_load_idx %arg8[%broadcast_in_dim3A, %convert_element_type3A_178] : memref<4x4096xf32, #tpu.memory_space<vmem>>[vector<16xi32>, vector<16xi32>], vector<16xf32>,
        %add3A_182 = arith.constant 1 : i32
        %add3A_183 = vector.broadcast %add3A_182 : i32 to vector<16xi32>
        %add3A_184 = arith.addi %convert_element_type3A_178, %add3A_183 : vector<16xi32>
        %gather3A_185 = tpu.vector_load_idx %arg8[%broadcast_in_dim3A, %add3A_184] : memref<4x4096xf32, #tpu.memory_space<vmem>>[vector<16xi32>, vector<16xi32>], vector<16xf32>,
        %sub3A_186 = arith.constant 1.000000e+00 : f32
        %sub3A_187 = vector.broadcast %sub3A_186 : f32 to vector<16xf32>
        %sub3A_188 = arith.subf %sub3A_187, %sub3A_180 : vector<16xf32>
        %mul3A_189 = arith.mulf %gather3A_181, %sub3A_188 : vector<16xf32>
        %mul3A_190 = arith.mulf %gather3A_185, %sub3A_180 : vector<16xf32>
        %add3A_191 = arith.addf %mul3A_189, %mul3A_190 : vector<16xf32>
        %swap3A_192 = arith.index_cast %add3A_118 : i32 to index
        %swap3A_193 = arith.constant 48 : index
        %swap3A_194 = tpu.vector_load %arg10[%swap3A_192, %swap3A_193] {strides = array<i32>} : memref<96x64xf32, #tpu.memory_space<vmem>>, vector<16xf32>,
        tpu.vector_store %arg10[%swap3A_192, %swap3A_193], %add3A_191 {strides = array<i32>} : memref<96x64xf32, #tpu.memory_space<vmem>>, vector<16xf32>,
      }
      %scan3A_101 = arith.constant 4 : i32
      %add3A_102 = arith.constant 3 : i32
      %add3A_103 = arith.addi %add3A_34, %add3A_102 : i32
      %add3A_104 = arith.constant 4 : i32
      %add3A_105 = arith.addi %add3A_103, %add3A_104 : i32
      %lt3A_106 = arith.constant 24 : i32
      %lt3A_107 = arith.cmpi slt, %add3A_105, %lt3A_106 : i32
      %convert_element_type3A_108 = arith.extui %lt3A_107 : i1 to i32
      %cond3A_109 = arith.constant 0 : i32
      %cond3A_110 = arith.cmpi ne, %convert_element_type3A_108, %cond3A_109 : i32
      scf.if %cond3A_110 {
        %add3A_111 = arith.constant 3 : i32
        %add3A_112 = arith.addi %add3A_34, %add3A_111 : i32
        %add3A_113 = arith.constant 4 : i32
        %add3A_114 = arith.addi %add3A_112, %add3A_113 : i32
        %mul3A_115 = arith.constant 4 : i32
        %mul3A_116 = arith.muli %add3A_114, %mul3A_115 : i32
        %add3A_117 = arith.addi %mul3A_2, %mul3A_116 : i32
        %dma_start3A_118 = arith.constant 0 : i32
        %dma_start3A_119 = tpu.memref_slice %arg2[%add3A_117, %dma_start3A_118] : memref<4096x4096xf32, #tpu.memory_space<hbm>> -> memref<4x4096xf32, #tpu.memory_space<hbm>>
        %dma_start3A_120 = arith.constant 0 : i32
        %dma_start3A_121 = tpu.memref_slice %arg2[%add3A_117, %dma_start3A_120] : memref<4096x4096xf32, #tpu.memory_space<hbm>> -> memref<4x4096xf32, #tpu.memory_space<hbm>>
        tpu.enqueue_dma source(%dma_start3A_121 : memref<4x4096xf32, #tpu.memory_space<hbm>>) target(%arg8 : memref<4x4096xf32, #tpu.memory_space<vmem>>) target_semaphore(%arg14 : memref<!tpu.dma_semaphore, #tpu.memory_space<semaphore_mem>>)
      } else {
      }
    }
    %scan3A_29 = arith.constant 6 : i32
    "tpu.region"() ({
      %run_scoped3A = tpu.sem_alloc : memref<!tpu.dma_semaphore, #tpu.memory_space<semaphore_mem>>
      %dma_start3A_30 = arith.constant 0 : i32
      %dma_start3A_31 = tpu.memref_slice %arg4[%mul3A_2, %dma_start3A_30] : memref<3072x64xf32, #tpu.memory_space<hbm>> -> memref<96x64xf32, #tpu.memory_space<hbm>>
      %dma_start3A_32 = arith.constant 0 : i32
      %dma_start3A_33 = tpu.memref_slice %arg4[%mul3A_2, %dma_start3A_32] : memref<3072x64xf32, #tpu.memory_space<hbm>> -> memref<96x64xf32, #tpu.memory_space<hbm>>
      tpu.enqueue_dma source(%arg10 : memref<96x64xf32, #tpu.memory_space<vmem>>) target(%dma_start3A_33 : memref<96x64xf32, #tpu.memory_space<hbm>>) target_semaphore(%run_scoped3A : memref<!tpu.dma_semaphore, #tpu.memory_space<semaphore_mem>>)
      %dma_wait3A = arith.constant 0 : i32
      %dma_wait3A_34 = tpu.memref_slice %arg4[%mul3A_2, %dma_wait3A] : memref<3072x64xf32, #tpu.memory_space<hbm>> -> memref<96x64xf32, #tpu.memory_space<hbm>>
      %dma_wait3A_35 = arith.constant 0 : i32
      %dma_wait3A_36 = tpu.memref_slice %arg4[%mul3A_2, %dma_wait3A_35] : memref<3072x64xf32, #tpu.memory_space<hbm>> -> memref<96x64xf32, #tpu.memory_space<hbm>>
      tpu.wait_dma2 semaphore(%run_scoped3A : memref<!tpu.dma_semaphore, #tpu.memory_space<semaphore_mem>>) src(%arg10 : memref<96x64xf32, #tpu.memory_space<vmem>>) dst(%dma_wait3A_36 : memref<96x64xf32, #tpu.memory_space<hbm>>)
      tpu.yield
    }) : () -> ()
    return
  }
}

module attributes {stable_mosaic.version = 14 : i64} {
  func.func @_tc_body(%arg0: i32, %arg1: memref<256x4096xf32, #tpu.memory_space<vmem>>, %arg2: memref<256x64xf32, #tpu.memory_space<vmem>>, %arg3: memref<256x64xf32, #tpu.memory_space<vmem>>) attributes {dimension_semantics = [#tpu.dimension_semantics<arbitrary>], iteration_bounds = array<i64: 4>, scalar_prefetch = 0 : i64, scratch_operands = 0 : i64, tpu.core_type = #tpu.core_type<tc>, window_params = [{transform_indices = @transform_0, window_bounds = array<i64: 256, 4096>}, {transform_indices = @transform_1, window_bounds = array<i64: 256, 64>}, {transform_indices = @transform_2, window_bounds = array<i64: 256, 64>}]} {
    %get3A = arith.constant 0 : index
    %get3A_0 = arith.constant 0 : index
    %get3A_1 = vector.load %arg2[%get3A, %get3A_0] : memref<256x64xf32, #tpu.memory_space<vmem>>, vector<256x64xf32>
    %floor3A = math.floor %get3A_1 : vector<256x64xf32>
    %convert_element_type3A = arith.fptosi %floor3A : vector<256x64xf32> to vector<256x64xi32>
    %convert_element_type3A_2 = arith.sitofp %convert_element_type3A : vector<256x64xi32> to vector<256x64xf32>
    %sub3A = arith.subf %get3A_1, %convert_element_type3A_2 : vector<256x64xf32>
    %shift_right_logical3A = arith.constant 7 : i32
    %shift_right_logical3A_3 = vector.broadcast %shift_right_logical3A : i32 to vector<256x64xi32>
    %shift_right_logical3A_4 = arith.shrui %convert_element_type3A, %shift_right_logical3A_3 : vector<256x64xi32>
    %and3A = arith.constant 127 : i32
    %and3A_5 = vector.broadcast %and3A : i32 to vector<256x64xi32>
    %and3A_6 = arith.andi %convert_element_type3A, %and3A_5 : vector<256x64xi32>
    %broadcast_in_dim3A = arith.constant 0.000000e+00 : f32
    %broadcast_in_dim3A_7 = vector.broadcast %broadcast_in_dim3A : f32 to vector<256x64xf32>
    %get3A_8 = arith.constant 0 : index
    %get3A_9 = arith.constant 0 : index
    %get3A_10 = vector.load %arg1[%get3A_8, %get3A_9] : memref<256x4096xf32, #tpu.memory_space<vmem>>, vector<256x128xf32>
    %eq3A = arith.constant 0 : i32
    %eq3A_11 = vector.broadcast %eq3A : i32 to vector<256x64xi32>
    %eq3A_12 = arith.cmpi eq, %shift_right_logical3A_4, %eq3A_11 : vector<256x64xi32>
    %lt3A = arith.constant 0 : i32
    %lt3A_13 = vector.broadcast %lt3A : i32 to vector<256x64xi32>
    %lt3A_14 = arith.cmpi slt, %and3A_6, %lt3A_13 : vector<256x64xi32>
    %add3A = arith.constant 128 : i32
    %add3A_15 = vector.broadcast %add3A : i32 to vector<256x64xi32>
    %add3A_16 = arith.addi %and3A_6, %add3A_15 : vector<256x64xi32>
    %select_n3A = arith.select %lt3A_14, %add3A_16, %and3A_6 : vector<256x64xi1>, vector<256x64xi32>
    %reshape3A = vector.shape_cast %select_n3A : vector<256x64xi32> to vector<256x64x1xi32>
    %gather3A = vector.shape_cast %reshape3A : vector<256x64x1xi32> to vector<256x64xi32>
    %gather3A_17 = tpu.dynamic_gather %get3A_10[%gather3A] in [1] : vector<256x128xf32>, vector<256x64xi32> -> vector<256x64xf32>
    %select_n3A_18 = arith.select %eq3A_12, %gather3A_17, %broadcast_in_dim3A_7 : vector<256x64xi1>, vector<256x64xf32>
    %get3A_19 = arith.constant 0 : index
    %get3A_20 = arith.constant 128 : index
    %get3A_21 = vector.load %arg1[%get3A_19, %get3A_20] : memref<256x4096xf32, #tpu.memory_space<vmem>>, vector<256x128xf32>
    %eq3A_22 = arith.constant 1 : i32
    %eq3A_23 = vector.broadcast %eq3A_22 : i32 to vector<256x64xi32>
    %eq3A_24 = arith.cmpi eq, %shift_right_logical3A_4, %eq3A_23 : vector<256x64xi32>
    %lt3A_25 = arith.constant 0 : i32
    %lt3A_26 = vector.broadcast %lt3A_25 : i32 to vector<256x64xi32>
    %lt3A_27 = arith.cmpi slt, %and3A_6, %lt3A_26 : vector<256x64xi32>
    %add3A_28 = arith.constant 128 : i32
    %add3A_29 = vector.broadcast %add3A_28 : i32 to vector<256x64xi32>
    %add3A_30 = arith.addi %and3A_6, %add3A_29 : vector<256x64xi32>
    %select_n3A_31 = arith.select %lt3A_27, %add3A_30, %and3A_6 : vector<256x64xi1>, vector<256x64xi32>
    %reshape3A_32 = vector.shape_cast %select_n3A_31 : vector<256x64xi32> to vector<256x64x1xi32>
    %gather3A_33 = vector.shape_cast %reshape3A_32 : vector<256x64x1xi32> to vector<256x64xi32>
    %gather3A_34 = tpu.dynamic_gather %get3A_21[%gather3A_33] in [1] : vector<256x128xf32>, vector<256x64xi32> -> vector<256x64xf32>
    %select_n3A_35 = arith.select %eq3A_24, %gather3A_34, %select_n3A_18 : vector<256x64xi1>, vector<256x64xf32>
    %get3A_36 = arith.constant 0 : index
    %get3A_37 = arith.constant 256 : index
    %get3A_38 = vector.load %arg1[%get3A_36, %get3A_37] : memref<256x4096xf32, #tpu.memory_space<vmem>>, vector<256x128xf32>
    %eq3A_39 = arith.constant 2 : i32
    %eq3A_40 = vector.broadcast %eq3A_39 : i32 to vector<256x64xi32>
    %eq3A_41 = arith.cmpi eq, %shift_right_logical3A_4, %eq3A_40 : vector<256x64xi32>
    %lt3A_42 = arith.constant 0 : i32
    %lt3A_43 = vector.broadcast %lt3A_42 : i32 to vector<256x64xi32>
    %lt3A_44 = arith.cmpi slt, %and3A_6, %lt3A_43 : vector<256x64xi32>
    %add3A_45 = arith.constant 128 : i32
    %add3A_46 = vector.broadcast %add3A_45 : i32 to vector<256x64xi32>
    %add3A_47 = arith.addi %and3A_6, %add3A_46 : vector<256x64xi32>
    %select_n3A_48 = arith.select %lt3A_44, %add3A_47, %and3A_6 : vector<256x64xi1>, vector<256x64xi32>
    %reshape3A_49 = vector.shape_cast %select_n3A_48 : vector<256x64xi32> to vector<256x64x1xi32>
    %gather3A_50 = vector.shape_cast %reshape3A_49 : vector<256x64x1xi32> to vector<256x64xi32>
    %gather3A_51 = tpu.dynamic_gather %get3A_38[%gather3A_50] in [1] : vector<256x128xf32>, vector<256x64xi32> -> vector<256x64xf32>
    %select_n3A_52 = arith.select %eq3A_41, %gather3A_51, %select_n3A_35 : vector<256x64xi1>, vector<256x64xf32>
    %get3A_53 = arith.constant 0 : index
    %get3A_54 = arith.constant 384 : index
    %get3A_55 = vector.load %arg1[%get3A_53, %get3A_54] : memref<256x4096xf32, #tpu.memory_space<vmem>>, vector<256x128xf32>
    %eq3A_56 = arith.constant 3 : i32
    %eq3A_57 = vector.broadcast %eq3A_56 : i32 to vector<256x64xi32>
    %eq3A_58 = arith.cmpi eq, %shift_right_logical3A_4, %eq3A_57 : vector<256x64xi32>
    %lt3A_59 = arith.constant 0 : i32
    %lt3A_60 = vector.broadcast %lt3A_59 : i32 to vector<256x64xi32>
    %lt3A_61 = arith.cmpi slt, %and3A_6, %lt3A_60 : vector<256x64xi32>
    %add3A_62 = arith.constant 128 : i32
    %add3A_63 = vector.broadcast %add3A_62 : i32 to vector<256x64xi32>
    %add3A_64 = arith.addi %and3A_6, %add3A_63 : vector<256x64xi32>
    %select_n3A_65 = arith.select %lt3A_61, %add3A_64, %and3A_6 : vector<256x64xi1>, vector<256x64xi32>
    %reshape3A_66 = vector.shape_cast %select_n3A_65 : vector<256x64xi32> to vector<256x64x1xi32>
    %gather3A_67 = vector.shape_cast %reshape3A_66 : vector<256x64x1xi32> to vector<256x64xi32>
    %gather3A_68 = tpu.dynamic_gather %get3A_55[%gather3A_67] in [1] : vector<256x128xf32>, vector<256x64xi32> -> vector<256x64xf32>
    %select_n3A_69 = arith.select %eq3A_58, %gather3A_68, %select_n3A_52 : vector<256x64xi1>, vector<256x64xf32>
    %get3A_70 = arith.constant 0 : index
    %get3A_71 = arith.constant 512 : index
    %get3A_72 = vector.load %arg1[%get3A_70, %get3A_71] : memref<256x4096xf32, #tpu.memory_space<vmem>>, vector<256x128xf32>
    %eq3A_73 = arith.constant 4 : i32
    %eq3A_74 = vector.broadcast %eq3A_73 : i32 to vector<256x64xi32>
    %eq3A_75 = arith.cmpi eq, %shift_right_logical3A_4, %eq3A_74 : vector<256x64xi32>
    %lt3A_76 = arith.constant 0 : i32
    %lt3A_77 = vector.broadcast %lt3A_76 : i32 to vector<256x64xi32>
    %lt3A_78 = arith.cmpi slt, %and3A_6, %lt3A_77 : vector<256x64xi32>
    %add3A_79 = arith.constant 128 : i32
    %add3A_80 = vector.broadcast %add3A_79 : i32 to vector<256x64xi32>
    %add3A_81 = arith.addi %and3A_6, %add3A_80 : vector<256x64xi32>
    %select_n3A_82 = arith.select %lt3A_78, %add3A_81, %and3A_6 : vector<256x64xi1>, vector<256x64xi32>
    %reshape3A_83 = vector.shape_cast %select_n3A_82 : vector<256x64xi32> to vector<256x64x1xi32>
    %gather3A_84 = vector.shape_cast %reshape3A_83 : vector<256x64x1xi32> to vector<256x64xi32>
    %gather3A_85 = tpu.dynamic_gather %get3A_72[%gather3A_84] in [1] : vector<256x128xf32>, vector<256x64xi32> -> vector<256x64xf32>
    %select_n3A_86 = arith.select %eq3A_75, %gather3A_85, %select_n3A_69 : vector<256x64xi1>, vector<256x64xf32>
    %get3A_87 = arith.constant 0 : index
    %get3A_88 = arith.constant 640 : index
    %get3A_89 = vector.load %arg1[%get3A_87, %get3A_88] : memref<256x4096xf32, #tpu.memory_space<vmem>>, vector<256x128xf32>
    %eq3A_90 = arith.constant 5 : i32
    %eq3A_91 = vector.broadcast %eq3A_90 : i32 to vector<256x64xi32>
    %eq3A_92 = arith.cmpi eq, %shift_right_logical3A_4, %eq3A_91 : vector<256x64xi32>
    %lt3A_93 = arith.constant 0 : i32
    %lt3A_94 = vector.broadcast %lt3A_93 : i32 to vector<256x64xi32>
    %lt3A_95 = arith.cmpi slt, %and3A_6, %lt3A_94 : vector<256x64xi32>
    %add3A_96 = arith.constant 128 : i32
    %add3A_97 = vector.broadcast %add3A_96 : i32 to vector<256x64xi32>
    %add3A_98 = arith.addi %and3A_6, %add3A_97 : vector<256x64xi32>
    %select_n3A_99 = arith.select %lt3A_95, %add3A_98, %and3A_6 : vector<256x64xi1>, vector<256x64xi32>
    %reshape3A_100 = vector.shape_cast %select_n3A_99 : vector<256x64xi32> to vector<256x64x1xi32>
    %gather3A_101 = vector.shape_cast %reshape3A_100 : vector<256x64x1xi32> to vector<256x64xi32>
    %gather3A_102 = tpu.dynamic_gather %get3A_89[%gather3A_101] in [1] : vector<256x128xf32>, vector<256x64xi32> -> vector<256x64xf32>
    %select_n3A_103 = arith.select %eq3A_92, %gather3A_102, %select_n3A_86 : vector<256x64xi1>, vector<256x64xf32>
    %get3A_104 = arith.constant 0 : index
    %get3A_105 = arith.constant 768 : index
    %get3A_106 = vector.load %arg1[%get3A_104, %get3A_105] : memref<256x4096xf32, #tpu.memory_space<vmem>>, vector<256x128xf32>
    %eq3A_107 = arith.constant 6 : i32
    %eq3A_108 = vector.broadcast %eq3A_107 : i32 to vector<256x64xi32>
    %eq3A_109 = arith.cmpi eq, %shift_right_logical3A_4, %eq3A_108 : vector<256x64xi32>
    %lt3A_110 = arith.constant 0 : i32
    %lt3A_111 = vector.broadcast %lt3A_110 : i32 to vector<256x64xi32>
    %lt3A_112 = arith.cmpi slt, %and3A_6, %lt3A_111 : vector<256x64xi32>
    %add3A_113 = arith.constant 128 : i32
    %add3A_114 = vector.broadcast %add3A_113 : i32 to vector<256x64xi32>
    %add3A_115 = arith.addi %and3A_6, %add3A_114 : vector<256x64xi32>
    %select_n3A_116 = arith.select %lt3A_112, %add3A_115, %and3A_6 : vector<256x64xi1>, vector<256x64xi32>
    %reshape3A_117 = vector.shape_cast %select_n3A_116 : vector<256x64xi32> to vector<256x64x1xi32>
    %gather3A_118 = vector.shape_cast %reshape3A_117 : vector<256x64x1xi32> to vector<256x64xi32>
    %gather3A_119 = tpu.dynamic_gather %get3A_106[%gather3A_118] in [1] : vector<256x128xf32>, vector<256x64xi32> -> vector<256x64xf32>
    %select_n3A_120 = arith.select %eq3A_109, %gather3A_119, %select_n3A_103 : vector<256x64xi1>, vector<256x64xf32>
    %get3A_121 = arith.constant 0 : index
    %get3A_122 = arith.constant 896 : index
    %get3A_123 = vector.load %arg1[%get3A_121, %get3A_122] : memref<256x4096xf32, #tpu.memory_space<vmem>>, vector<256x128xf32>
    %eq3A_124 = arith.constant 7 : i32
    %eq3A_125 = vector.broadcast %eq3A_124 : i32 to vector<256x64xi32>
    %eq3A_126 = arith.cmpi eq, %shift_right_logical3A_4, %eq3A_125 : vector<256x64xi32>
    %lt3A_127 = arith.constant 0 : i32
    %lt3A_128 = vector.broadcast %lt3A_127 : i32 to vector<256x64xi32>
    %lt3A_129 = arith.cmpi slt, %and3A_6, %lt3A_128 : vector<256x64xi32>
    %add3A_130 = arith.constant 128 : i32
    %add3A_131 = vector.broadcast %add3A_130 : i32 to vector<256x64xi32>
    %add3A_132 = arith.addi %and3A_6, %add3A_131 : vector<256x64xi32>
    %select_n3A_133 = arith.select %lt3A_129, %add3A_132, %and3A_6 : vector<256x64xi1>, vector<256x64xi32>
    %reshape3A_134 = vector.shape_cast %select_n3A_133 : vector<256x64xi32> to vector<256x64x1xi32>
    %gather3A_135 = vector.shape_cast %reshape3A_134 : vector<256x64x1xi32> to vector<256x64xi32>
    %gather3A_136 = tpu.dynamic_gather %get3A_123[%gather3A_135] in [1] : vector<256x128xf32>, vector<256x64xi32> -> vector<256x64xf32>
    %select_n3A_137 = arith.select %eq3A_126, %gather3A_136, %select_n3A_120 : vector<256x64xi1>, vector<256x64xf32>
    %get3A_138 = arith.constant 0 : index
    %get3A_139 = arith.constant 1024 : index
    %get3A_140 = vector.load %arg1[%get3A_138, %get3A_139] : memref<256x4096xf32, #tpu.memory_space<vmem>>, vector<256x128xf32>
    %eq3A_141 = arith.constant 8 : i32
    %eq3A_142 = vector.broadcast %eq3A_141 : i32 to vector<256x64xi32>
    %eq3A_143 = arith.cmpi eq, %shift_right_logical3A_4, %eq3A_142 : vector<256x64xi32>
    %lt3A_144 = arith.constant 0 : i32
    %lt3A_145 = vector.broadcast %lt3A_144 : i32 to vector<256x64xi32>
    %lt3A_146 = arith.cmpi slt, %and3A_6, %lt3A_145 : vector<256x64xi32>
    %add3A_147 = arith.constant 128 : i32
    %add3A_148 = vector.broadcast %add3A_147 : i32 to vector<256x64xi32>
    %add3A_149 = arith.addi %and3A_6, %add3A_148 : vector<256x64xi32>
    %select_n3A_150 = arith.select %lt3A_146, %add3A_149, %and3A_6 : vector<256x64xi1>, vector<256x64xi32>
    %reshape3A_151 = vector.shape_cast %select_n3A_150 : vector<256x64xi32> to vector<256x64x1xi32>
    %gather3A_152 = vector.shape_cast %reshape3A_151 : vector<256x64x1xi32> to vector<256x64xi32>
    %gather3A_153 = tpu.dynamic_gather %get3A_140[%gather3A_152] in [1] : vector<256x128xf32>, vector<256x64xi32> -> vector<256x64xf32>
    %select_n3A_154 = arith.select %eq3A_143, %gather3A_153, %select_n3A_137 : vector<256x64xi1>, vector<256x64xf32>
    %get3A_155 = arith.constant 0 : index
    %get3A_156 = arith.constant 1152 : index
    %get3A_157 = vector.load %arg1[%get3A_155, %get3A_156] : memref<256x4096xf32, #tpu.memory_space<vmem>>, vector<256x128xf32>
    %eq3A_158 = arith.constant 9 : i32
    %eq3A_159 = vector.broadcast %eq3A_158 : i32 to vector<256x64xi32>
    %eq3A_160 = arith.cmpi eq, %shift_right_logical3A_4, %eq3A_159 : vector<256x64xi32>
    %lt3A_161 = arith.constant 0 : i32
    %lt3A_162 = vector.broadcast %lt3A_161 : i32 to vector<256x64xi32>
    %lt3A_163 = arith.cmpi slt, %and3A_6, %lt3A_162 : vector<256x64xi32>
    %add3A_164 = arith.constant 128 : i32
    %add3A_165 = vector.broadcast %add3A_164 : i32 to vector<256x64xi32>
    %add3A_166 = arith.addi %and3A_6, %add3A_165 : vector<256x64xi32>
    %select_n3A_167 = arith.select %lt3A_163, %add3A_166, %and3A_6 : vector<256x64xi1>, vector<256x64xi32>
    %reshape3A_168 = vector.shape_cast %select_n3A_167 : vector<256x64xi32> to vector<256x64x1xi32>
    %gather3A_169 = vector.shape_cast %reshape3A_168 : vector<256x64x1xi32> to vector<256x64xi32>
    %gather3A_170 = tpu.dynamic_gather %get3A_157[%gather3A_169] in [1] : vector<256x128xf32>, vector<256x64xi32> -> vector<256x64xf32>
    %select_n3A_171 = arith.select %eq3A_160, %gather3A_170, %select_n3A_154 : vector<256x64xi1>, vector<256x64xf32>
    %get3A_172 = arith.constant 0 : index
    %get3A_173 = arith.constant 1280 : index
    %get3A_174 = vector.load %arg1[%get3A_172, %get3A_173] : memref<256x4096xf32, #tpu.memory_space<vmem>>, vector<256x128xf32>
    %eq3A_175 = arith.constant 10 : i32
    %eq3A_176 = vector.broadcast %eq3A_175 : i32 to vector<256x64xi32>
    %eq3A_177 = arith.cmpi eq, %shift_right_logical3A_4, %eq3A_176 : vector<256x64xi32>
    %lt3A_178 = arith.constant 0 : i32
    %lt3A_179 = vector.broadcast %lt3A_178 : i32 to vector<256x64xi32>
    %lt3A_180 = arith.cmpi slt, %and3A_6, %lt3A_179 : vector<256x64xi32>
    %add3A_181 = arith.constant 128 : i32
    %add3A_182 = vector.broadcast %add3A_181 : i32 to vector<256x64xi32>
    %add3A_183 = arith.addi %and3A_6, %add3A_182 : vector<256x64xi32>
    %select_n3A_184 = arith.select %lt3A_180, %add3A_183, %and3A_6 : vector<256x64xi1>, vector<256x64xi32>
    %reshape3A_185 = vector.shape_cast %select_n3A_184 : vector<256x64xi32> to vector<256x64x1xi32>
    %gather3A_186 = vector.shape_cast %reshape3A_185 : vector<256x64x1xi32> to vector<256x64xi32>
    %gather3A_187 = tpu.dynamic_gather %get3A_174[%gather3A_186] in [1] : vector<256x128xf32>, vector<256x64xi32> -> vector<256x64xf32>
    %select_n3A_188 = arith.select %eq3A_177, %gather3A_187, %select_n3A_171 : vector<256x64xi1>, vector<256x64xf32>
    %get3A_189 = arith.constant 0 : index
    %get3A_190 = arith.constant 1408 : index
    %get3A_191 = vector.load %arg1[%get3A_189, %get3A_190] : memref<256x4096xf32, #tpu.memory_space<vmem>>, vector<256x128xf32>
    %eq3A_192 = arith.constant 11 : i32
    %eq3A_193 = vector.broadcast %eq3A_192 : i32 to vector<256x64xi32>
    %eq3A_194 = arith.cmpi eq, %shift_right_logical3A_4, %eq3A_193 : vector<256x64xi32>
    %lt3A_195 = arith.constant 0 : i32
    %lt3A_196 = vector.broadcast %lt3A_195 : i32 to vector<256x64xi32>
    %lt3A_197 = arith.cmpi slt, %and3A_6, %lt3A_196 : vector<256x64xi32>
    %add3A_198 = arith.constant 128 : i32
    %add3A_199 = vector.broadcast %add3A_198 : i32 to vector<256x64xi32>
    %add3A_200 = arith.addi %and3A_6, %add3A_199 : vector<256x64xi32>
    %select_n3A_201 = arith.select %lt3A_197, %add3A_200, %and3A_6 : vector<256x64xi1>, vector<256x64xi32>
    %reshape3A_202 = vector.shape_cast %select_n3A_201 : vector<256x64xi32> to vector<256x64x1xi32>
    %gather3A_203 = vector.shape_cast %reshape3A_202 : vector<256x64x1xi32> to vector<256x64xi32>
    %gather3A_204 = tpu.dynamic_gather %get3A_191[%gather3A_203] in [1] : vector<256x128xf32>, vector<256x64xi32> -> vector<256x64xf32>
    %select_n3A_205 = arith.select %eq3A_194, %gather3A_204, %select_n3A_188 : vector<256x64xi1>, vector<256x64xf32>
    %get3A_206 = arith.constant 0 : index
    %get3A_207 = arith.constant 1536 : index
    %get3A_208 = vector.load %arg1[%get3A_206, %get3A_207] : memref<256x4096xf32, #tpu.memory_space<vmem>>, vector<256x128xf32>
    %eq3A_209 = arith.constant 12 : i32
    %eq3A_210 = vector.broadcast %eq3A_209 : i32 to vector<256x64xi32>
    %eq3A_211 = arith.cmpi eq, %shift_right_logical3A_4, %eq3A_210 : vector<256x64xi32>
    %lt3A_212 = arith.constant 0 : i32
    %lt3A_213 = vector.broadcast %lt3A_212 : i32 to vector<256x64xi32>
    %lt3A_214 = arith.cmpi slt, %and3A_6, %lt3A_213 : vector<256x64xi32>
    %add3A_215 = arith.constant 128 : i32
    %add3A_216 = vector.broadcast %add3A_215 : i32 to vector<256x64xi32>
    %add3A_217 = arith.addi %and3A_6, %add3A_216 : vector<256x64xi32>
    %select_n3A_218 = arith.select %lt3A_214, %add3A_217, %and3A_6 : vector<256x64xi1>, vector<256x64xi32>
    %reshape3A_219 = vector.shape_cast %select_n3A_218 : vector<256x64xi32> to vector<256x64x1xi32>
    %gather3A_220 = vector.shape_cast %reshape3A_219 : vector<256x64x1xi32> to vector<256x64xi32>
    %gather3A_221 = tpu.dynamic_gather %get3A_208[%gather3A_220] in [1] : vector<256x128xf32>, vector<256x64xi32> -> vector<256x64xf32>
    %select_n3A_222 = arith.select %eq3A_211, %gather3A_221, %select_n3A_205 : vector<256x64xi1>, vector<256x64xf32>
    %get3A_223 = arith.constant 0 : index
    %get3A_224 = arith.constant 1664 : index
    %get3A_225 = vector.load %arg1[%get3A_223, %get3A_224] : memref<256x4096xf32, #tpu.memory_space<vmem>>, vector<256x128xf32>
    %eq3A_226 = arith.constant 13 : i32
    %eq3A_227 = vector.broadcast %eq3A_226 : i32 to vector<256x64xi32>
    %eq3A_228 = arith.cmpi eq, %shift_right_logical3A_4, %eq3A_227 : vector<256x64xi32>
    %lt3A_229 = arith.constant 0 : i32
    %lt3A_230 = vector.broadcast %lt3A_229 : i32 to vector<256x64xi32>
    %lt3A_231 = arith.cmpi slt, %and3A_6, %lt3A_230 : vector<256x64xi32>
    %add3A_232 = arith.constant 128 : i32
    %add3A_233 = vector.broadcast %add3A_232 : i32 to vector<256x64xi32>
    %add3A_234 = arith.addi %and3A_6, %add3A_233 : vector<256x64xi32>
    %select_n3A_235 = arith.select %lt3A_231, %add3A_234, %and3A_6 : vector<256x64xi1>, vector<256x64xi32>
    %reshape3A_236 = vector.shape_cast %select_n3A_235 : vector<256x64xi32> to vector<256x64x1xi32>
    %gather3A_237 = vector.shape_cast %reshape3A_236 : vector<256x64x1xi32> to vector<256x64xi32>
    %gather3A_238 = tpu.dynamic_gather %get3A_225[%gather3A_237] in [1] : vector<256x128xf32>, vector<256x64xi32> -> vector<256x64xf32>
    %select_n3A_239 = arith.select %eq3A_228, %gather3A_238, %select_n3A_222 : vector<256x64xi1>, vector<256x64xf32>
    %get3A_240 = arith.constant 0 : index
    %get3A_241 = arith.constant 1792 : index
    %get3A_242 = vector.load %arg1[%get3A_240, %get3A_241] : memref<256x4096xf32, #tpu.memory_space<vmem>>, vector<256x128xf32>
    %eq3A_243 = arith.constant 14 : i32
    %eq3A_244 = vector.broadcast %eq3A_243 : i32 to vector<256x64xi32>
    %eq3A_245 = arith.cmpi eq, %shift_right_logical3A_4, %eq3A_244 : vector<256x64xi32>
    %lt3A_246 = arith.constant 0 : i32
    %lt3A_247 = vector.broadcast %lt3A_246 : i32 to vector<256x64xi32>
    %lt3A_248 = arith.cmpi slt, %and3A_6, %lt3A_247 : vector<256x64xi32>
    %add3A_249 = arith.constant 128 : i32
    %add3A_250 = vector.broadcast %add3A_249 : i32 to vector<256x64xi32>
    %add3A_251 = arith.addi %and3A_6, %add3A_250 : vector<256x64xi32>
    %select_n3A_252 = arith.select %lt3A_248, %add3A_251, %and3A_6 : vector<256x64xi1>, vector<256x64xi32>
    %reshape3A_253 = vector.shape_cast %select_n3A_252 : vector<256x64xi32> to vector<256x64x1xi32>
    %gather3A_254 = vector.shape_cast %reshape3A_253 : vector<256x64x1xi32> to vector<256x64xi32>
    %gather3A_255 = tpu.dynamic_gather %get3A_242[%gather3A_254] in [1] : vector<256x128xf32>, vector<256x64xi32> -> vector<256x64xf32>
    %select_n3A_256 = arith.select %eq3A_245, %gather3A_255, %select_n3A_239 : vector<256x64xi1>, vector<256x64xf32>
    %get3A_257 = arith.constant 0 : index
    %get3A_258 = arith.constant 1920 : index
    %get3A_259 = vector.load %arg1[%get3A_257, %get3A_258] : memref<256x4096xf32, #tpu.memory_space<vmem>>, vector<256x128xf32>
    %eq3A_260 = arith.constant 15 : i32
    %eq3A_261 = vector.broadcast %eq3A_260 : i32 to vector<256x64xi32>
    %eq3A_262 = arith.cmpi eq, %shift_right_logical3A_4, %eq3A_261 : vector<256x64xi32>
    %lt3A_263 = arith.constant 0 : i32
    %lt3A_264 = vector.broadcast %lt3A_263 : i32 to vector<256x64xi32>
    %lt3A_265 = arith.cmpi slt, %and3A_6, %lt3A_264 : vector<256x64xi32>
    %add3A_266 = arith.constant 128 : i32
    %add3A_267 = vector.broadcast %add3A_266 : i32 to vector<256x64xi32>
    %add3A_268 = arith.addi %and3A_6, %add3A_267 : vector<256x64xi32>
    %select_n3A_269 = arith.select %lt3A_265, %add3A_268, %and3A_6 : vector<256x64xi1>, vector<256x64xi32>
    %reshape3A_270 = vector.shape_cast %select_n3A_269 : vector<256x64xi32> to vector<256x64x1xi32>
    %gather3A_271 = vector.shape_cast %reshape3A_270 : vector<256x64x1xi32> to vector<256x64xi32>
    %gather3A_272 = tpu.dynamic_gather %get3A_259[%gather3A_271] in [1] : vector<256x128xf32>, vector<256x64xi32> -> vector<256x64xf32>
    %select_n3A_273 = arith.select %eq3A_262, %gather3A_272, %select_n3A_256 : vector<256x64xi1>, vector<256x64xf32>
    %get3A_274 = arith.constant 0 : index
    %get3A_275 = arith.constant 2048 : index
    %get3A_276 = vector.load %arg1[%get3A_274, %get3A_275] : memref<256x4096xf32, #tpu.memory_space<vmem>>, vector<256x128xf32>
    %eq3A_277 = arith.constant 16 : i32
    %eq3A_278 = vector.broadcast %eq3A_277 : i32 to vector<256x64xi32>
    %eq3A_279 = arith.cmpi eq, %shift_right_logical3A_4, %eq3A_278 : vector<256x64xi32>
    %lt3A_280 = arith.constant 0 : i32
    %lt3A_281 = vector.broadcast %lt3A_280 : i32 to vector<256x64xi32>
    %lt3A_282 = arith.cmpi slt, %and3A_6, %lt3A_281 : vector<256x64xi32>
    %add3A_283 = arith.constant 128 : i32
    %add3A_284 = vector.broadcast %add3A_283 : i32 to vector<256x64xi32>
    %add3A_285 = arith.addi %and3A_6, %add3A_284 : vector<256x64xi32>
    %select_n3A_286 = arith.select %lt3A_282, %add3A_285, %and3A_6 : vector<256x64xi1>, vector<256x64xi32>
    %reshape3A_287 = vector.shape_cast %select_n3A_286 : vector<256x64xi32> to vector<256x64x1xi32>
    %gather3A_288 = vector.shape_cast %reshape3A_287 : vector<256x64x1xi32> to vector<256x64xi32>
    %gather3A_289 = tpu.dynamic_gather %get3A_276[%gather3A_288] in [1] : vector<256x128xf32>, vector<256x64xi32> -> vector<256x64xf32>
    %select_n3A_290 = arith.select %eq3A_279, %gather3A_289, %select_n3A_273 : vector<256x64xi1>, vector<256x64xf32>
    %get3A_291 = arith.constant 0 : index
    %get3A_292 = arith.constant 2176 : index
    %get3A_293 = vector.load %arg1[%get3A_291, %get3A_292] : memref<256x4096xf32, #tpu.memory_space<vmem>>, vector<256x128xf32>
    %eq3A_294 = arith.constant 17 : i32
    %eq3A_295 = vector.broadcast %eq3A_294 : i32 to vector<256x64xi32>
    %eq3A_296 = arith.cmpi eq, %shift_right_logical3A_4, %eq3A_295 : vector<256x64xi32>
    %lt3A_297 = arith.constant 0 : i32
    %lt3A_298 = vector.broadcast %lt3A_297 : i32 to vector<256x64xi32>
    %lt3A_299 = arith.cmpi slt, %and3A_6, %lt3A_298 : vector<256x64xi32>
    %add3A_300 = arith.constant 128 : i32
    %add3A_301 = vector.broadcast %add3A_300 : i32 to vector<256x64xi32>
    %add3A_302 = arith.addi %and3A_6, %add3A_301 : vector<256x64xi32>
    %select_n3A_303 = arith.select %lt3A_299, %add3A_302, %and3A_6 : vector<256x64xi1>, vector<256x64xi32>
    %reshape3A_304 = vector.shape_cast %select_n3A_303 : vector<256x64xi32> to vector<256x64x1xi32>
    %gather3A_305 = vector.shape_cast %reshape3A_304 : vector<256x64x1xi32> to vector<256x64xi32>
    %gather3A_306 = tpu.dynamic_gather %get3A_293[%gather3A_305] in [1] : vector<256x128xf32>, vector<256x64xi32> -> vector<256x64xf32>
    %select_n3A_307 = arith.select %eq3A_296, %gather3A_306, %select_n3A_290 : vector<256x64xi1>, vector<256x64xf32>
    %get3A_308 = arith.constant 0 : index
    %get3A_309 = arith.constant 2304 : index
    %get3A_310 = vector.load %arg1[%get3A_308, %get3A_309] : memref<256x4096xf32, #tpu.memory_space<vmem>>, vector<256x128xf32>
    %eq3A_311 = arith.constant 18 : i32
    %eq3A_312 = vector.broadcast %eq3A_311 : i32 to vector<256x64xi32>
    %eq3A_313 = arith.cmpi eq, %shift_right_logical3A_4, %eq3A_312 : vector<256x64xi32>
    %lt3A_314 = arith.constant 0 : i32
    %lt3A_315 = vector.broadcast %lt3A_314 : i32 to vector<256x64xi32>
    %lt3A_316 = arith.cmpi slt, %and3A_6, %lt3A_315 : vector<256x64xi32>
    %add3A_317 = arith.constant 128 : i32
    %add3A_318 = vector.broadcast %add3A_317 : i32 to vector<256x64xi32>
    %add3A_319 = arith.addi %and3A_6, %add3A_318 : vector<256x64xi32>
    %select_n3A_320 = arith.select %lt3A_316, %add3A_319, %and3A_6 : vector<256x64xi1>, vector<256x64xi32>
    %reshape3A_321 = vector.shape_cast %select_n3A_320 : vector<256x64xi32> to vector<256x64x1xi32>
    %gather3A_322 = vector.shape_cast %reshape3A_321 : vector<256x64x1xi32> to vector<256x64xi32>
    %gather3A_323 = tpu.dynamic_gather %get3A_310[%gather3A_322] in [1] : vector<256x128xf32>, vector<256x64xi32> -> vector<256x64xf32>
    %select_n3A_324 = arith.select %eq3A_313, %gather3A_323, %select_n3A_307 : vector<256x64xi1>, vector<256x64xf32>
    %get3A_325 = arith.constant 0 : index
    %get3A_326 = arith.constant 2432 : index
    %get3A_327 = vector.load %arg1[%get3A_325, %get3A_326] : memref<256x4096xf32, #tpu.memory_space<vmem>>, vector<256x128xf32>
    %eq3A_328 = arith.constant 19 : i32
    %eq3A_329 = vector.broadcast %eq3A_328 : i32 to vector<256x64xi32>
    %eq3A_330 = arith.cmpi eq, %shift_right_logical3A_4, %eq3A_329 : vector<256x64xi32>
    %lt3A_331 = arith.constant 0 : i32
    %lt3A_332 = vector.broadcast %lt3A_331 : i32 to vector<256x64xi32>
    %lt3A_333 = arith.cmpi slt, %and3A_6, %lt3A_332 : vector<256x64xi32>
    %add3A_334 = arith.constant 128 : i32
    %add3A_335 = vector.broadcast %add3A_334 : i32 to vector<256x64xi32>
    %add3A_336 = arith.addi %and3A_6, %add3A_335 : vector<256x64xi32>
    %select_n3A_337 = arith.select %lt3A_333, %add3A_336, %and3A_6 : vector<256x64xi1>, vector<256x64xi32>
    %reshape3A_338 = vector.shape_cast %select_n3A_337 : vector<256x64xi32> to vector<256x64x1xi32>
    %gather3A_339 = vector.shape_cast %reshape3A_338 : vector<256x64x1xi32> to vector<256x64xi32>
    %gather3A_340 = tpu.dynamic_gather %get3A_327[%gather3A_339] in [1] : vector<256x128xf32>, vector<256x64xi32> -> vector<256x64xf32>
    %select_n3A_341 = arith.select %eq3A_330, %gather3A_340, %select_n3A_324 : vector<256x64xi1>, vector<256x64xf32>
    %get3A_342 = arith.constant 0 : index
    %get3A_343 = arith.constant 2560 : index
    %get3A_344 = vector.load %arg1[%get3A_342, %get3A_343] : memref<256x4096xf32, #tpu.memory_space<vmem>>, vector<256x128xf32>
    %eq3A_345 = arith.constant 20 : i32
    %eq3A_346 = vector.broadcast %eq3A_345 : i32 to vector<256x64xi32>
    %eq3A_347 = arith.cmpi eq, %shift_right_logical3A_4, %eq3A_346 : vector<256x64xi32>
    %lt3A_348 = arith.constant 0 : i32
    %lt3A_349 = vector.broadcast %lt3A_348 : i32 to vector<256x64xi32>
    %lt3A_350 = arith.cmpi slt, %and3A_6, %lt3A_349 : vector<256x64xi32>
    %add3A_351 = arith.constant 128 : i32
    %add3A_352 = vector.broadcast %add3A_351 : i32 to vector<256x64xi32>
    %add3A_353 = arith.addi %and3A_6, %add3A_352 : vector<256x64xi32>
    %select_n3A_354 = arith.select %lt3A_350, %add3A_353, %and3A_6 : vector<256x64xi1>, vector<256x64xi32>
    %reshape3A_355 = vector.shape_cast %select_n3A_354 : vector<256x64xi32> to vector<256x64x1xi32>
    %gather3A_356 = vector.shape_cast %reshape3A_355 : vector<256x64x1xi32> to vector<256x64xi32>
    %gather3A_357 = tpu.dynamic_gather %get3A_344[%gather3A_356] in [1] : vector<256x128xf32>, vector<256x64xi32> -> vector<256x64xf32>
    %select_n3A_358 = arith.select %eq3A_347, %gather3A_357, %select_n3A_341 : vector<256x64xi1>, vector<256x64xf32>
    %get3A_359 = arith.constant 0 : index
    %get3A_360 = arith.constant 2688 : index
    %get3A_361 = vector.load %arg1[%get3A_359, %get3A_360] : memref<256x4096xf32, #tpu.memory_space<vmem>>, vector<256x128xf32>
    %eq3A_362 = arith.constant 21 : i32
    %eq3A_363 = vector.broadcast %eq3A_362 : i32 to vector<256x64xi32>
    %eq3A_364 = arith.cmpi eq, %shift_right_logical3A_4, %eq3A_363 : vector<256x64xi32>
    %lt3A_365 = arith.constant 0 : i32
    %lt3A_366 = vector.broadcast %lt3A_365 : i32 to vector<256x64xi32>
    %lt3A_367 = arith.cmpi slt, %and3A_6, %lt3A_366 : vector<256x64xi32>
    %add3A_368 = arith.constant 128 : i32
    %add3A_369 = vector.broadcast %add3A_368 : i32 to vector<256x64xi32>
    %add3A_370 = arith.addi %and3A_6, %add3A_369 : vector<256x64xi32>
    %select_n3A_371 = arith.select %lt3A_367, %add3A_370, %and3A_6 : vector<256x64xi1>, vector<256x64xi32>
    %reshape3A_372 = vector.shape_cast %select_n3A_371 : vector<256x64xi32> to vector<256x64x1xi32>
    %gather3A_373 = vector.shape_cast %reshape3A_372 : vector<256x64x1xi32> to vector<256x64xi32>
    %gather3A_374 = tpu.dynamic_gather %get3A_361[%gather3A_373] in [1] : vector<256x128xf32>, vector<256x64xi32> -> vector<256x64xf32>
    %select_n3A_375 = arith.select %eq3A_364, %gather3A_374, %select_n3A_358 : vector<256x64xi1>, vector<256x64xf32>
    %get3A_376 = arith.constant 0 : index
    %get3A_377 = arith.constant 2816 : index
    %get3A_378 = vector.load %arg1[%get3A_376, %get3A_377] : memref<256x4096xf32, #tpu.memory_space<vmem>>, vector<256x128xf32>
    %eq3A_379 = arith.constant 22 : i32
    %eq3A_380 = vector.broadcast %eq3A_379 : i32 to vector<256x64xi32>
    %eq3A_381 = arith.cmpi eq, %shift_right_logical3A_4, %eq3A_380 : vector<256x64xi32>
    %lt3A_382 = arith.constant 0 : i32
    %lt3A_383 = vector.broadcast %lt3A_382 : i32 to vector<256x64xi32>
    %lt3A_384 = arith.cmpi slt, %and3A_6, %lt3A_383 : vector<256x64xi32>
    %add3A_385 = arith.constant 128 : i32
    %add3A_386 = vector.broadcast %add3A_385 : i32 to vector<256x64xi32>
    %add3A_387 = arith.addi %and3A_6, %add3A_386 : vector<256x64xi32>
    %select_n3A_388 = arith.select %lt3A_384, %add3A_387, %and3A_6 : vector<256x64xi1>, vector<256x64xi32>
    %reshape3A_389 = vector.shape_cast %select_n3A_388 : vector<256x64xi32> to vector<256x64x1xi32>
    %gather3A_390 = vector.shape_cast %reshape3A_389 : vector<256x64x1xi32> to vector<256x64xi32>
    %gather3A_391 = tpu.dynamic_gather %get3A_378[%gather3A_390] in [1] : vector<256x128xf32>, vector<256x64xi32> -> vector<256x64xf32>
    %select_n3A_392 = arith.select %eq3A_381, %gather3A_391, %select_n3A_375 : vector<256x64xi1>, vector<256x64xf32>
    %get3A_393 = arith.constant 0 : index
    %get3A_394 = arith.constant 2944 : index
    %get3A_395 = vector.load %arg1[%get3A_393, %get3A_394] : memref<256x4096xf32, #tpu.memory_space<vmem>>, vector<256x128xf32>
    %eq3A_396 = arith.constant 23 : i32
    %eq3A_397 = vector.broadcast %eq3A_396 : i32 to vector<256x64xi32>
    %eq3A_398 = arith.cmpi eq, %shift_right_logical3A_4, %eq3A_397 : vector<256x64xi32>
    %lt3A_399 = arith.constant 0 : i32
    %lt3A_400 = vector.broadcast %lt3A_399 : i32 to vector<256x64xi32>
    %lt3A_401 = arith.cmpi slt, %and3A_6, %lt3A_400 : vector<256x64xi32>
    %add3A_402 = arith.constant 128 : i32
    %add3A_403 = vector.broadcast %add3A_402 : i32 to vector<256x64xi32>
    %add3A_404 = arith.addi %and3A_6, %add3A_403 : vector<256x64xi32>
    %select_n3A_405 = arith.select %lt3A_401, %add3A_404, %and3A_6 : vector<256x64xi1>, vector<256x64xi32>
    %reshape3A_406 = vector.shape_cast %select_n3A_405 : vector<256x64xi32> to vector<256x64x1xi32>
    %gather3A_407 = vector.shape_cast %reshape3A_406 : vector<256x64x1xi32> to vector<256x64xi32>
    %gather3A_408 = tpu.dynamic_gather %get3A_395[%gather3A_407] in [1] : vector<256x128xf32>, vector<256x64xi32> -> vector<256x64xf32>
    %select_n3A_409 = arith.select %eq3A_398, %gather3A_408, %select_n3A_392 : vector<256x64xi1>, vector<256x64xf32>
    %get3A_410 = arith.constant 0 : index
    %get3A_411 = arith.constant 3072 : index
    %get3A_412 = vector.load %arg1[%get3A_410, %get3A_411] : memref<256x4096xf32, #tpu.memory_space<vmem>>, vector<256x128xf32>
    %eq3A_413 = arith.constant 24 : i32
    %eq3A_414 = vector.broadcast %eq3A_413 : i32 to vector<256x64xi32>
    %eq3A_415 = arith.cmpi eq, %shift_right_logical3A_4, %eq3A_414 : vector<256x64xi32>
    %lt3A_416 = arith.constant 0 : i32
    %lt3A_417 = vector.broadcast %lt3A_416 : i32 to vector<256x64xi32>
    %lt3A_418 = arith.cmpi slt, %and3A_6, %lt3A_417 : vector<256x64xi32>
    %add3A_419 = arith.constant 128 : i32
    %add3A_420 = vector.broadcast %add3A_419 : i32 to vector<256x64xi32>
    %add3A_421 = arith.addi %and3A_6, %add3A_420 : vector<256x64xi32>
    %select_n3A_422 = arith.select %lt3A_418, %add3A_421, %and3A_6 : vector<256x64xi1>, vector<256x64xi32>
    %reshape3A_423 = vector.shape_cast %select_n3A_422 : vector<256x64xi32> to vector<256x64x1xi32>
    %gather3A_424 = vector.shape_cast %reshape3A_423 : vector<256x64x1xi32> to vector<256x64xi32>
    %gather3A_425 = tpu.dynamic_gather %get3A_412[%gather3A_424] in [1] : vector<256x128xf32>, vector<256x64xi32> -> vector<256x64xf32>
    %select_n3A_426 = arith.select %eq3A_415, %gather3A_425, %select_n3A_409 : vector<256x64xi1>, vector<256x64xf32>
    %get3A_427 = arith.constant 0 : index
    %get3A_428 = arith.constant 3200 : index
    %get3A_429 = vector.load %arg1[%get3A_427, %get3A_428] : memref<256x4096xf32, #tpu.memory_space<vmem>>, vector<256x128xf32>
    %eq3A_430 = arith.constant 25 : i32
    %eq3A_431 = vector.broadcast %eq3A_430 : i32 to vector<256x64xi32>
    %eq3A_432 = arith.cmpi eq, %shift_right_logical3A_4, %eq3A_431 : vector<256x64xi32>
    %lt3A_433 = arith.constant 0 : i32
    %lt3A_434 = vector.broadcast %lt3A_433 : i32 to vector<256x64xi32>
    %lt3A_435 = arith.cmpi slt, %and3A_6, %lt3A_434 : vector<256x64xi32>
    %add3A_436 = arith.constant 128 : i32
    %add3A_437 = vector.broadcast %add3A_436 : i32 to vector<256x64xi32>
    %add3A_438 = arith.addi %and3A_6, %add3A_437 : vector<256x64xi32>
    %select_n3A_439 = arith.select %lt3A_435, %add3A_438, %and3A_6 : vector<256x64xi1>, vector<256x64xi32>
    %reshape3A_440 = vector.shape_cast %select_n3A_439 : vector<256x64xi32> to vector<256x64x1xi32>
    %gather3A_441 = vector.shape_cast %reshape3A_440 : vector<256x64x1xi32> to vector<256x64xi32>
    %gather3A_442 = tpu.dynamic_gather %get3A_429[%gather3A_441] in [1] : vector<256x128xf32>, vector<256x64xi32> -> vector<256x64xf32>
    %select_n3A_443 = arith.select %eq3A_432, %gather3A_442, %select_n3A_426 : vector<256x64xi1>, vector<256x64xf32>
    %get3A_444 = arith.constant 0 : index
    %get3A_445 = arith.constant 3328 : index
    %get3A_446 = vector.load %arg1[%get3A_444, %get3A_445] : memref<256x4096xf32, #tpu.memory_space<vmem>>, vector<256x128xf32>
    %eq3A_447 = arith.constant 26 : i32
    %eq3A_448 = vector.broadcast %eq3A_447 : i32 to vector<256x64xi32>
    %eq3A_449 = arith.cmpi eq, %shift_right_logical3A_4, %eq3A_448 : vector<256x64xi32>
    %lt3A_450 = arith.constant 0 : i32
    %lt3A_451 = vector.broadcast %lt3A_450 : i32 to vector<256x64xi32>
    %lt3A_452 = arith.cmpi slt, %and3A_6, %lt3A_451 : vector<256x64xi32>
    %add3A_453 = arith.constant 128 : i32
    %add3A_454 = vector.broadcast %add3A_453 : i32 to vector<256x64xi32>
    %add3A_455 = arith.addi %and3A_6, %add3A_454 : vector<256x64xi32>
    %select_n3A_456 = arith.select %lt3A_452, %add3A_455, %and3A_6 : vector<256x64xi1>, vector<256x64xi32>
    %reshape3A_457 = vector.shape_cast %select_n3A_456 : vector<256x64xi32> to vector<256x64x1xi32>
    %gather3A_458 = vector.shape_cast %reshape3A_457 : vector<256x64x1xi32> to vector<256x64xi32>
    %gather3A_459 = tpu.dynamic_gather %get3A_446[%gather3A_458] in [1] : vector<256x128xf32>, vector<256x64xi32> -> vector<256x64xf32>
    %select_n3A_460 = arith.select %eq3A_449, %gather3A_459, %select_n3A_443 : vector<256x64xi1>, vector<256x64xf32>
    %get3A_461 = arith.constant 0 : index
    %get3A_462 = arith.constant 3456 : index
    %get3A_463 = vector.load %arg1[%get3A_461, %get3A_462] : memref<256x4096xf32, #tpu.memory_space<vmem>>, vector<256x128xf32>
    %eq3A_464 = arith.constant 27 : i32
    %eq3A_465 = vector.broadcast %eq3A_464 : i32 to vector<256x64xi32>
    %eq3A_466 = arith.cmpi eq, %shift_right_logical3A_4, %eq3A_465 : vector<256x64xi32>
    %lt3A_467 = arith.constant 0 : i32
    %lt3A_468 = vector.broadcast %lt3A_467 : i32 to vector<256x64xi32>
    %lt3A_469 = arith.cmpi slt, %and3A_6, %lt3A_468 : vector<256x64xi32>
    %add3A_470 = arith.constant 128 : i32
    %add3A_471 = vector.broadcast %add3A_470 : i32 to vector<256x64xi32>
    %add3A_472 = arith.addi %and3A_6, %add3A_471 : vector<256x64xi32>
    %select_n3A_473 = arith.select %lt3A_469, %add3A_472, %and3A_6 : vector<256x64xi1>, vector<256x64xi32>
    %reshape3A_474 = vector.shape_cast %select_n3A_473 : vector<256x64xi32> to vector<256x64x1xi32>
    %gather3A_475 = vector.shape_cast %reshape3A_474 : vector<256x64x1xi32> to vector<256x64xi32>
    %gather3A_476 = tpu.dynamic_gather %get3A_463[%gather3A_475] in [1] : vector<256x128xf32>, vector<256x64xi32> -> vector<256x64xf32>
    %select_n3A_477 = arith.select %eq3A_466, %gather3A_476, %select_n3A_460 : vector<256x64xi1>, vector<256x64xf32>
    %get3A_478 = arith.constant 0 : index
    %get3A_479 = arith.constant 3584 : index
    %get3A_480 = vector.load %arg1[%get3A_478, %get3A_479] : memref<256x4096xf32, #tpu.memory_space<vmem>>, vector<256x128xf32>
    %eq3A_481 = arith.constant 28 : i32
    %eq3A_482 = vector.broadcast %eq3A_481 : i32 to vector<256x64xi32>
    %eq3A_483 = arith.cmpi eq, %shift_right_logical3A_4, %eq3A_482 : vector<256x64xi32>
    %lt3A_484 = arith.constant 0 : i32
    %lt3A_485 = vector.broadcast %lt3A_484 : i32 to vector<256x64xi32>
    %lt3A_486 = arith.cmpi slt, %and3A_6, %lt3A_485 : vector<256x64xi32>
    %add3A_487 = arith.constant 128 : i32
    %add3A_488 = vector.broadcast %add3A_487 : i32 to vector<256x64xi32>
    %add3A_489 = arith.addi %and3A_6, %add3A_488 : vector<256x64xi32>
    %select_n3A_490 = arith.select %lt3A_486, %add3A_489, %and3A_6 : vector<256x64xi1>, vector<256x64xi32>
    %reshape3A_491 = vector.shape_cast %select_n3A_490 : vector<256x64xi32> to vector<256x64x1xi32>
    %gather3A_492 = vector.shape_cast %reshape3A_491 : vector<256x64x1xi32> to vector<256x64xi32>
    %gather3A_493 = tpu.dynamic_gather %get3A_480[%gather3A_492] in [1] : vector<256x128xf32>, vector<256x64xi32> -> vector<256x64xf32>
    %select_n3A_494 = arith.select %eq3A_483, %gather3A_493, %select_n3A_477 : vector<256x64xi1>, vector<256x64xf32>
    %get3A_495 = arith.constant 0 : index
    %get3A_496 = arith.constant 3712 : index
    %get3A_497 = vector.load %arg1[%get3A_495, %get3A_496] : memref<256x4096xf32, #tpu.memory_space<vmem>>, vector<256x128xf32>
    %eq3A_498 = arith.constant 29 : i32
    %eq3A_499 = vector.broadcast %eq3A_498 : i32 to vector<256x64xi32>
    %eq3A_500 = arith.cmpi eq, %shift_right_logical3A_4, %eq3A_499 : vector<256x64xi32>
    %lt3A_501 = arith.constant 0 : i32
    %lt3A_502 = vector.broadcast %lt3A_501 : i32 to vector<256x64xi32>
    %lt3A_503 = arith.cmpi slt, %and3A_6, %lt3A_502 : vector<256x64xi32>
    %add3A_504 = arith.constant 128 : i32
    %add3A_505 = vector.broadcast %add3A_504 : i32 to vector<256x64xi32>
    %add3A_506 = arith.addi %and3A_6, %add3A_505 : vector<256x64xi32>
    %select_n3A_507 = arith.select %lt3A_503, %add3A_506, %and3A_6 : vector<256x64xi1>, vector<256x64xi32>
    %reshape3A_508 = vector.shape_cast %select_n3A_507 : vector<256x64xi32> to vector<256x64x1xi32>
    %gather3A_509 = vector.shape_cast %reshape3A_508 : vector<256x64x1xi32> to vector<256x64xi32>
    %gather3A_510 = tpu.dynamic_gather %get3A_497[%gather3A_509] in [1] : vector<256x128xf32>, vector<256x64xi32> -> vector<256x64xf32>
    %select_n3A_511 = arith.select %eq3A_500, %gather3A_510, %select_n3A_494 : vector<256x64xi1>, vector<256x64xf32>
    %get3A_512 = arith.constant 0 : index
    %get3A_513 = arith.constant 3840 : index
    %get3A_514 = vector.load %arg1[%get3A_512, %get3A_513] : memref<256x4096xf32, #tpu.memory_space<vmem>>, vector<256x128xf32>
    %eq3A_515 = arith.constant 30 : i32
    %eq3A_516 = vector.broadcast %eq3A_515 : i32 to vector<256x64xi32>
    %eq3A_517 = arith.cmpi eq, %shift_right_logical3A_4, %eq3A_516 : vector<256x64xi32>
    %lt3A_518 = arith.constant 0 : i32
    %lt3A_519 = vector.broadcast %lt3A_518 : i32 to vector<256x64xi32>
    %lt3A_520 = arith.cmpi slt, %and3A_6, %lt3A_519 : vector<256x64xi32>
    %add3A_521 = arith.constant 128 : i32
    %add3A_522 = vector.broadcast %add3A_521 : i32 to vector<256x64xi32>
    %add3A_523 = arith.addi %and3A_6, %add3A_522 : vector<256x64xi32>
    %select_n3A_524 = arith.select %lt3A_520, %add3A_523, %and3A_6 : vector<256x64xi1>, vector<256x64xi32>
    %reshape3A_525 = vector.shape_cast %select_n3A_524 : vector<256x64xi32> to vector<256x64x1xi32>
    %gather3A_526 = vector.shape_cast %reshape3A_525 : vector<256x64x1xi32> to vector<256x64xi32>
    %gather3A_527 = tpu.dynamic_gather %get3A_514[%gather3A_526] in [1] : vector<256x128xf32>, vector<256x64xi32> -> vector<256x64xf32>
    %select_n3A_528 = arith.select %eq3A_517, %gather3A_527, %select_n3A_511 : vector<256x64xi1>, vector<256x64xf32>
    %get3A_529 = arith.constant 0 : index
    %get3A_530 = arith.constant 3968 : index
    %get3A_531 = vector.load %arg1[%get3A_529, %get3A_530] : memref<256x4096xf32, #tpu.memory_space<vmem>>, vector<256x128xf32>
    %eq3A_532 = arith.constant 31 : i32
    %eq3A_533 = vector.broadcast %eq3A_532 : i32 to vector<256x64xi32>
    %eq3A_534 = arith.cmpi eq, %shift_right_logical3A_4, %eq3A_533 : vector<256x64xi32>
    %lt3A_535 = arith.constant 0 : i32
    %lt3A_536 = vector.broadcast %lt3A_535 : i32 to vector<256x64xi32>
    %lt3A_537 = arith.cmpi slt, %and3A_6, %lt3A_536 : vector<256x64xi32>
    %add3A_538 = arith.constant 128 : i32
    %add3A_539 = vector.broadcast %add3A_538 : i32 to vector<256x64xi32>
    %add3A_540 = arith.addi %and3A_6, %add3A_539 : vector<256x64xi32>
    %select_n3A_541 = arith.select %lt3A_537, %add3A_540, %and3A_6 : vector<256x64xi1>, vector<256x64xi32>
    %reshape3A_542 = vector.shape_cast %select_n3A_541 : vector<256x64xi32> to vector<256x64x1xi32>
    %gather3A_543 = vector.shape_cast %reshape3A_542 : vector<256x64x1xi32> to vector<256x64xi32>
    %gather3A_544 = tpu.dynamic_gather %get3A_531[%gather3A_543] in [1] : vector<256x128xf32>, vector<256x64xi32> -> vector<256x64xf32>
    %select_n3A_545 = arith.select %eq3A_534, %gather3A_544, %select_n3A_528 : vector<256x64xi1>, vector<256x64xf32>
    %swap3A = arith.constant 0 : index
    %swap3A_546 = arith.constant 0 : index
    %swap3A_547 = vector.load %arg3[%swap3A, %swap3A_546] : memref<256x64xf32, #tpu.memory_space<vmem>>, vector<256x64xf32>
    tpu.vector_store %arg3[%swap3A, %swap3A_546], %select_n3A_545 {strides = array<i32>} : memref<256x64xf32, #tpu.memory_space<vmem>>, vector<256x64xf32>,
    %ne3A = arith.constant 0.000000e+00 : f32
    %ne3A_548 = vector.broadcast %ne3A : f32 to vector<256x64xf32>
    %ne3A_549 = arith.cmpf one, %sub3A, %ne3A_548 : vector<256x64xf32>
    %reduce_or3A = arith.constant 1.000000e+00 : f32
    %reduce_or3A_550 = arith.constant 0.000000e+00 : f32
    %reduce_or3A_551 = vector.broadcast %reduce_or3A : f32 to vector<256x64xf32>
    %reduce_or3A_552 = vector.broadcast %reduce_or3A_550 : f32 to vector<256x64xf32>
    %reduce_or3A_553 = arith.select %ne3A_549, %reduce_or3A_551, %reduce_or3A_552 : vector<256x64xi1>, vector<256x64xf32>
    %reduce_or3A_554 = vector.shape_cast %reduce_or3A_553 : vector<256x64xf32> to vector<1x256x64xf32>
    %reduce_or3A_555 = arith.constant dense<0xFF800000> : vector<1xf32>
    %reduce_or3A_556 = vector.multi_reduction <maximumf>, %reduce_or3A_554, %reduce_or3A_555 [1, 2] : vector<1x256x64xf32> to vector<1xf32>
    %reduce_or3A_557 = vector.shape_cast %reduce_or3A_556 : vector<1xf32> to vector<1x1x1xf32>
    %reduce_or3A_558 = vector.extract %reduce_or3A_557[0, 0, 0] : f32 from vector<1x1x1xf32>
    %reduce_or3A_559 = arith.constant 0.000000e+00 : f32
    %reduce_or3A_560 = arith.cmpf ogt, %reduce_or3A_558, %reduce_or3A_559 : f32
    %convert_element_type3A_561 = arith.extui %reduce_or3A_560 : i1 to i32
    %cond3A = arith.constant 0 : i32
    %cond3A_562 = arith.cmpi ne, %convert_element_type3A_561, %cond3A : i32
    scf.if %cond3A_562 {
      %add3A_563 = arith.constant 1 : i32
      %add3A_564 = vector.broadcast %add3A_563 : i32 to vector<256x64xi32>
      %add3A_565 = arith.addi %convert_element_type3A, %add3A_564 : vector<256x64xi32>
      %shift_right_logical3A_566 = arith.constant 7 : i32
      %shift_right_logical3A_567 = vector.broadcast %shift_right_logical3A_566 : i32 to vector<256x64xi32>
      %shift_right_logical3A_568 = arith.shrui %add3A_565, %shift_right_logical3A_567 : vector<256x64xi32>
      %and3A_569 = arith.constant 127 : i32
      %and3A_570 = vector.broadcast %and3A_569 : i32 to vector<256x64xi32>
      %and3A_571 = arith.andi %add3A_565, %and3A_570 : vector<256x64xi32>
      %broadcast_in_dim3A_572 = arith.constant 0.000000e+00 : f32
      %broadcast_in_dim3A_573 = vector.broadcast %broadcast_in_dim3A_572 : f32 to vector<256x64xf32>
      %get3A_574 = arith.constant 0 : index
      %get3A_575 = arith.constant 0 : index
      %get3A_576 = vector.load %arg1[%get3A_574, %get3A_575] : memref<256x4096xf32, #tpu.memory_space<vmem>>, vector<256x128xf32>
      %eq3A_577 = arith.constant 0 : i32
      %eq3A_578 = vector.broadcast %eq3A_577 : i32 to vector<256x64xi32>
      %eq3A_579 = arith.cmpi eq, %shift_right_logical3A_568, %eq3A_578 : vector<256x64xi32>
      %lt3A_580 = arith.constant 0 : i32
      %lt3A_581 = vector.broadcast %lt3A_580 : i32 to vector<256x64xi32>
      %lt3A_582 = arith.cmpi slt, %and3A_571, %lt3A_581 : vector<256x64xi32>
      %add3A_583 = arith.constant 128 : i32
      %add3A_584 = vector.broadcast %add3A_583 : i32 to vector<256x64xi32>
      %add3A_585 = arith.addi %and3A_571, %add3A_584 : vector<256x64xi32>
      %select_n3A_586 = arith.select %lt3A_582, %add3A_585, %and3A_571 : vector<256x64xi1>, vector<256x64xi32>
      %reshape3A_587 = vector.shape_cast %select_n3A_586 : vector<256x64xi32> to vector<256x64x1xi32>
      %gather3A_588 = vector.shape_cast %reshape3A_587 : vector<256x64x1xi32> to vector<256x64xi32>
      %gather3A_589 = tpu.dynamic_gather %get3A_576[%gather3A_588] in [1] : vector<256x128xf32>, vector<256x64xi32> -> vector<256x64xf32>
      %select_n3A_590 = arith.select %eq3A_579, %gather3A_589, %broadcast_in_dim3A_573 : vector<256x64xi1>, vector<256x64xf32>
      %get3A_591 = arith.constant 0 : index
      %get3A_592 = arith.constant 128 : index
      %get3A_593 = vector.load %arg1[%get3A_591, %get3A_592] : memref<256x4096xf32, #tpu.memory_space<vmem>>, vector<256x128xf32>
      %eq3A_594 = arith.constant 1 : i32
      %eq3A_595 = vector.broadcast %eq3A_594 : i32 to vector<256x64xi32>
      %eq3A_596 = arith.cmpi eq, %shift_right_logical3A_568, %eq3A_595 : vector<256x64xi32>
      %lt3A_597 = arith.constant 0 : i32
      %lt3A_598 = vector.broadcast %lt3A_597 : i32 to vector<256x64xi32>
      %lt3A_599 = arith.cmpi slt, %and3A_571, %lt3A_598 : vector<256x64xi32>
      %add3A_600 = arith.constant 128 : i32
      %add3A_601 = vector.broadcast %add3A_600 : i32 to vector<256x64xi32>
      %add3A_602 = arith.addi %and3A_571, %add3A_601 : vector<256x64xi32>
      %select_n3A_603 = arith.select %lt3A_599, %add3A_602, %and3A_571 : vector<256x64xi1>, vector<256x64xi32>
      %reshape3A_604 = vector.shape_cast %select_n3A_603 : vector<256x64xi32> to vector<256x64x1xi32>
      %gather3A_605 = vector.shape_cast %reshape3A_604 : vector<256x64x1xi32> to vector<256x64xi32>
      %gather3A_606 = tpu.dynamic_gather %get3A_593[%gather3A_605] in [1] : vector<256x128xf32>, vector<256x64xi32> -> vector<256x64xf32>
      %select_n3A_607 = arith.select %eq3A_596, %gather3A_606, %select_n3A_590 : vector<256x64xi1>, vector<256x64xf32>
      %get3A_608 = arith.constant 0 : index
      %get3A_609 = arith.constant 256 : index
      %get3A_610 = vector.load %arg1[%get3A_608, %get3A_609] : memref<256x4096xf32, #tpu.memory_space<vmem>>, vector<256x128xf32>
      %eq3A_611 = arith.constant 2 : i32
      %eq3A_612 = vector.broadcast %eq3A_611 : i32 to vector<256x64xi32>
      %eq3A_613 = arith.cmpi eq, %shift_right_logical3A_568, %eq3A_612 : vector<256x64xi32>
      %lt3A_614 = arith.constant 0 : i32
      %lt3A_615 = vector.broadcast %lt3A_614 : i32 to vector<256x64xi32>
      %lt3A_616 = arith.cmpi slt, %and3A_571, %lt3A_615 : vector<256x64xi32>
      %add3A_617 = arith.constant 128 : i32
      %add3A_618 = vector.broadcast %add3A_617 : i32 to vector<256x64xi32>
      %add3A_619 = arith.addi %and3A_571, %add3A_618 : vector<256x64xi32>
      %select_n3A_620 = arith.select %lt3A_616, %add3A_619, %and3A_571 : vector<256x64xi1>, vector<256x64xi32>
      %reshape3A_621 = vector.shape_cast %select_n3A_620 : vector<256x64xi32> to vector<256x64x1xi32>
      %gather3A_622 = vector.shape_cast %reshape3A_621 : vector<256x64x1xi32> to vector<256x64xi32>
      %gather3A_623 = tpu.dynamic_gather %get3A_610[%gather3A_622] in [1] : vector<256x128xf32>, vector<256x64xi32> -> vector<256x64xf32>
      %select_n3A_624 = arith.select %eq3A_613, %gather3A_623, %select_n3A_607 : vector<256x64xi1>, vector<256x64xf32>
      %get3A_625 = arith.constant 0 : index
      %get3A_626 = arith.constant 384 : index
      %get3A_627 = vector.load %arg1[%get3A_625, %get3A_626] : memref<256x4096xf32, #tpu.memory_space<vmem>>, vector<256x128xf32>
      %eq3A_628 = arith.constant 3 : i32
      %eq3A_629 = vector.broadcast %eq3A_628 : i32 to vector<256x64xi32>
      %eq3A_630 = arith.cmpi eq, %shift_right_logical3A_568, %eq3A_629 : vector<256x64xi32>
      %lt3A_631 = arith.constant 0 : i32
      %lt3A_632 = vector.broadcast %lt3A_631 : i32 to vector<256x64xi32>
      %lt3A_633 = arith.cmpi slt, %and3A_571, %lt3A_632 : vector<256x64xi32>
      %add3A_634 = arith.constant 128 : i32
      %add3A_635 = vector.broadcast %add3A_634 : i32 to vector<256x64xi32>
      %add3A_636 = arith.addi %and3A_571, %add3A_635 : vector<256x64xi32>
      %select_n3A_637 = arith.select %lt3A_633, %add3A_636, %and3A_571 : vector<256x64xi1>, vector<256x64xi32>
      %reshape3A_638 = vector.shape_cast %select_n3A_637 : vector<256x64xi32> to vector<256x64x1xi32>
      %gather3A_639 = vector.shape_cast %reshape3A_638 : vector<256x64x1xi32> to vector<256x64xi32>
      %gather3A_640 = tpu.dynamic_gather %get3A_627[%gather3A_639] in [1] : vector<256x128xf32>, vector<256x64xi32> -> vector<256x64xf32>
      %select_n3A_641 = arith.select %eq3A_630, %gather3A_640, %select_n3A_624 : vector<256x64xi1>, vector<256x64xf32>
      %get3A_642 = arith.constant 0 : index
      %get3A_643 = arith.constant 512 : index
      %get3A_644 = vector.load %arg1[%get3A_642, %get3A_643] : memref<256x4096xf32, #tpu.memory_space<vmem>>, vector<256x128xf32>
      %eq3A_645 = arith.constant 4 : i32
      %eq3A_646 = vector.broadcast %eq3A_645 : i32 to vector<256x64xi32>
      %eq3A_647 = arith.cmpi eq, %shift_right_logical3A_568, %eq3A_646 : vector<256x64xi32>
      %lt3A_648 = arith.constant 0 : i32
      %lt3A_649 = vector.broadcast %lt3A_648 : i32 to vector<256x64xi32>
      %lt3A_650 = arith.cmpi slt, %and3A_571, %lt3A_649 : vector<256x64xi32>
      %add3A_651 = arith.constant 128 : i32
      %add3A_652 = vector.broadcast %add3A_651 : i32 to vector<256x64xi32>
      %add3A_653 = arith.addi %and3A_571, %add3A_652 : vector<256x64xi32>
      %select_n3A_654 = arith.select %lt3A_650, %add3A_653, %and3A_571 : vector<256x64xi1>, vector<256x64xi32>
      %reshape3A_655 = vector.shape_cast %select_n3A_654 : vector<256x64xi32> to vector<256x64x1xi32>
      %gather3A_656 = vector.shape_cast %reshape3A_655 : vector<256x64x1xi32> to vector<256x64xi32>
      %gather3A_657 = tpu.dynamic_gather %get3A_644[%gather3A_656] in [1] : vector<256x128xf32>, vector<256x64xi32> -> vector<256x64xf32>
      %select_n3A_658 = arith.select %eq3A_647, %gather3A_657, %select_n3A_641 : vector<256x64xi1>, vector<256x64xf32>
      %get3A_659 = arith.constant 0 : index
      %get3A_660 = arith.constant 640 : index
      %get3A_661 = vector.load %arg1[%get3A_659, %get3A_660] : memref<256x4096xf32, #tpu.memory_space<vmem>>, vector<256x128xf32>
      %eq3A_662 = arith.constant 5 : i32
      %eq3A_663 = vector.broadcast %eq3A_662 : i32 to vector<256x64xi32>
      %eq3A_664 = arith.cmpi eq, %shift_right_logical3A_568, %eq3A_663 : vector<256x64xi32>
      %lt3A_665 = arith.constant 0 : i32
      %lt3A_666 = vector.broadcast %lt3A_665 : i32 to vector<256x64xi32>
      %lt3A_667 = arith.cmpi slt, %and3A_571, %lt3A_666 : vector<256x64xi32>
      %add3A_668 = arith.constant 128 : i32
      %add3A_669 = vector.broadcast %add3A_668 : i32 to vector<256x64xi32>
      %add3A_670 = arith.addi %and3A_571, %add3A_669 : vector<256x64xi32>
      %select_n3A_671 = arith.select %lt3A_667, %add3A_670, %and3A_571 : vector<256x64xi1>, vector<256x64xi32>
      %reshape3A_672 = vector.shape_cast %select_n3A_671 : vector<256x64xi32> to vector<256x64x1xi32>
      %gather3A_673 = vector.shape_cast %reshape3A_672 : vector<256x64x1xi32> to vector<256x64xi32>
      %gather3A_674 = tpu.dynamic_gather %get3A_661[%gather3A_673] in [1] : vector<256x128xf32>, vector<256x64xi32> -> vector<256x64xf32>
      %select_n3A_675 = arith.select %eq3A_664, %gather3A_674, %select_n3A_658 : vector<256x64xi1>, vector<256x64xf32>
      %get3A_676 = arith.constant 0 : index
      %get3A_677 = arith.constant 768 : index
      %get3A_678 = vector.load %arg1[%get3A_676, %get3A_677] : memref<256x4096xf32, #tpu.memory_space<vmem>>, vector<256x128xf32>
      %eq3A_679 = arith.constant 6 : i32
      %eq3A_680 = vector.broadcast %eq3A_679 : i32 to vector<256x64xi32>
      %eq3A_681 = arith.cmpi eq, %shift_right_logical3A_568, %eq3A_680 : vector<256x64xi32>
      %lt3A_682 = arith.constant 0 : i32
      %lt3A_683 = vector.broadcast %lt3A_682 : i32 to vector<256x64xi32>
      %lt3A_684 = arith.cmpi slt, %and3A_571, %lt3A_683 : vector<256x64xi32>
      %add3A_685 = arith.constant 128 : i32
      %add3A_686 = vector.broadcast %add3A_685 : i32 to vector<256x64xi32>
      %add3A_687 = arith.addi %and3A_571, %add3A_686 : vector<256x64xi32>
      %select_n3A_688 = arith.select %lt3A_684, %add3A_687, %and3A_571 : vector<256x64xi1>, vector<256x64xi32>
      %reshape3A_689 = vector.shape_cast %select_n3A_688 : vector<256x64xi32> to vector<256x64x1xi32>
      %gather3A_690 = vector.shape_cast %reshape3A_689 : vector<256x64x1xi32> to vector<256x64xi32>
      %gather3A_691 = tpu.dynamic_gather %get3A_678[%gather3A_690] in [1] : vector<256x128xf32>, vector<256x64xi32> -> vector<256x64xf32>
      %select_n3A_692 = arith.select %eq3A_681, %gather3A_691, %select_n3A_675 : vector<256x64xi1>, vector<256x64xf32>
      %get3A_693 = arith.constant 0 : index
      %get3A_694 = arith.constant 896 : index
      %get3A_695 = vector.load %arg1[%get3A_693, %get3A_694] : memref<256x4096xf32, #tpu.memory_space<vmem>>, vector<256x128xf32>
      %eq3A_696 = arith.constant 7 : i32
      %eq3A_697 = vector.broadcast %eq3A_696 : i32 to vector<256x64xi32>
      %eq3A_698 = arith.cmpi eq, %shift_right_logical3A_568, %eq3A_697 : vector<256x64xi32>
      %lt3A_699 = arith.constant 0 : i32
      %lt3A_700 = vector.broadcast %lt3A_699 : i32 to vector<256x64xi32>
      %lt3A_701 = arith.cmpi slt, %and3A_571, %lt3A_700 : vector<256x64xi32>
      %add3A_702 = arith.constant 128 : i32
      %add3A_703 = vector.broadcast %add3A_702 : i32 to vector<256x64xi32>
      %add3A_704 = arith.addi %and3A_571, %add3A_703 : vector<256x64xi32>
      %select_n3A_705 = arith.select %lt3A_701, %add3A_704, %and3A_571 : vector<256x64xi1>, vector<256x64xi32>
      %reshape3A_706 = vector.shape_cast %select_n3A_705 : vector<256x64xi32> to vector<256x64x1xi32>
      %gather3A_707 = vector.shape_cast %reshape3A_706 : vector<256x64x1xi32> to vector<256x64xi32>
      %gather3A_708 = tpu.dynamic_gather %get3A_695[%gather3A_707] in [1] : vector<256x128xf32>, vector<256x64xi32> -> vector<256x64xf32>
      %select_n3A_709 = arith.select %eq3A_698, %gather3A_708, %select_n3A_692 : vector<256x64xi1>, vector<256x64xf32>
      %get3A_710 = arith.constant 0 : index
      %get3A_711 = arith.constant 1024 : index
      %get3A_712 = vector.load %arg1[%get3A_710, %get3A_711] : memref<256x4096xf32, #tpu.memory_space<vmem>>, vector<256x128xf32>
      %eq3A_713 = arith.constant 8 : i32
      %eq3A_714 = vector.broadcast %eq3A_713 : i32 to vector<256x64xi32>
      %eq3A_715 = arith.cmpi eq, %shift_right_logical3A_568, %eq3A_714 : vector<256x64xi32>
      %lt3A_716 = arith.constant 0 : i32
      %lt3A_717 = vector.broadcast %lt3A_716 : i32 to vector<256x64xi32>
      %lt3A_718 = arith.cmpi slt, %and3A_571, %lt3A_717 : vector<256x64xi32>
      %add3A_719 = arith.constant 128 : i32
      %add3A_720 = vector.broadcast %add3A_719 : i32 to vector<256x64xi32>
      %add3A_721 = arith.addi %and3A_571, %add3A_720 : vector<256x64xi32>
      %select_n3A_722 = arith.select %lt3A_718, %add3A_721, %and3A_571 : vector<256x64xi1>, vector<256x64xi32>
      %reshape3A_723 = vector.shape_cast %select_n3A_722 : vector<256x64xi32> to vector<256x64x1xi32>
      %gather3A_724 = vector.shape_cast %reshape3A_723 : vector<256x64x1xi32> to vector<256x64xi32>
      %gather3A_725 = tpu.dynamic_gather %get3A_712[%gather3A_724] in [1] : vector<256x128xf32>, vector<256x64xi32> -> vector<256x64xf32>
      %select_n3A_726 = arith.select %eq3A_715, %gather3A_725, %select_n3A_709 : vector<256x64xi1>, vector<256x64xf32>
      %get3A_727 = arith.constant 0 : index
      %get3A_728 = arith.constant 1152 : index
      %get3A_729 = vector.load %arg1[%get3A_727, %get3A_728] : memref<256x4096xf32, #tpu.memory_space<vmem>>, vector<256x128xf32>
      %eq3A_730 = arith.constant 9 : i32
      %eq3A_731 = vector.broadcast %eq3A_730 : i32 to vector<256x64xi32>
      %eq3A_732 = arith.cmpi eq, %shift_right_logical3A_568, %eq3A_731 : vector<256x64xi32>
      %lt3A_733 = arith.constant 0 : i32
      %lt3A_734 = vector.broadcast %lt3A_733 : i32 to vector<256x64xi32>
      %lt3A_735 = arith.cmpi slt, %and3A_571, %lt3A_734 : vector<256x64xi32>
      %add3A_736 = arith.constant 128 : i32
      %add3A_737 = vector.broadcast %add3A_736 : i32 to vector<256x64xi32>
      %add3A_738 = arith.addi %and3A_571, %add3A_737 : vector<256x64xi32>
      %select_n3A_739 = arith.select %lt3A_735, %add3A_738, %and3A_571 : vector<256x64xi1>, vector<256x64xi32>
      %reshape3A_740 = vector.shape_cast %select_n3A_739 : vector<256x64xi32> to vector<256x64x1xi32>
      %gather3A_741 = vector.shape_cast %reshape3A_740 : vector<256x64x1xi32> to vector<256x64xi32>
      %gather3A_742 = tpu.dynamic_gather %get3A_729[%gather3A_741] in [1] : vector<256x128xf32>, vector<256x64xi32> -> vector<256x64xf32>
      %select_n3A_743 = arith.select %eq3A_732, %gather3A_742, %select_n3A_726 : vector<256x64xi1>, vector<256x64xf32>
      %get3A_744 = arith.constant 0 : index
      %get3A_745 = arith.constant 1280 : index
      %get3A_746 = vector.load %arg1[%get3A_744, %get3A_745] : memref<256x4096xf32, #tpu.memory_space<vmem>>, vector<256x128xf32>
      %eq3A_747 = arith.constant 10 : i32
      %eq3A_748 = vector.broadcast %eq3A_747 : i32 to vector<256x64xi32>
      %eq3A_749 = arith.cmpi eq, %shift_right_logical3A_568, %eq3A_748 : vector<256x64xi32>
      %lt3A_750 = arith.constant 0 : i32
      %lt3A_751 = vector.broadcast %lt3A_750 : i32 to vector<256x64xi32>
      %lt3A_752 = arith.cmpi slt, %and3A_571, %lt3A_751 : vector<256x64xi32>
      %add3A_753 = arith.constant 128 : i32
      %add3A_754 = vector.broadcast %add3A_753 : i32 to vector<256x64xi32>
      %add3A_755 = arith.addi %and3A_571, %add3A_754 : vector<256x64xi32>
      %select_n3A_756 = arith.select %lt3A_752, %add3A_755, %and3A_571 : vector<256x64xi1>, vector<256x64xi32>
      %reshape3A_757 = vector.shape_cast %select_n3A_756 : vector<256x64xi32> to vector<256x64x1xi32>
      %gather3A_758 = vector.shape_cast %reshape3A_757 : vector<256x64x1xi32> to vector<256x64xi32>
      %gather3A_759 = tpu.dynamic_gather %get3A_746[%gather3A_758] in [1] : vector<256x128xf32>, vector<256x64xi32> -> vector<256x64xf32>
      %select_n3A_760 = arith.select %eq3A_749, %gather3A_759, %select_n3A_743 : vector<256x64xi1>, vector<256x64xf32>
      %get3A_761 = arith.constant 0 : index
      %get3A_762 = arith.constant 1408 : index
      %get3A_763 = vector.load %arg1[%get3A_761, %get3A_762] : memref<256x4096xf32, #tpu.memory_space<vmem>>, vector<256x128xf32>
      %eq3A_764 = arith.constant 11 : i32
      %eq3A_765 = vector.broadcast %eq3A_764 : i32 to vector<256x64xi32>
      %eq3A_766 = arith.cmpi eq, %shift_right_logical3A_568, %eq3A_765 : vector<256x64xi32>
      %lt3A_767 = arith.constant 0 : i32
      %lt3A_768 = vector.broadcast %lt3A_767 : i32 to vector<256x64xi32>
      %lt3A_769 = arith.cmpi slt, %and3A_571, %lt3A_768 : vector<256x64xi32>
      %add3A_770 = arith.constant 128 : i32
      %add3A_771 = vector.broadcast %add3A_770 : i32 to vector<256x64xi32>
      %add3A_772 = arith.addi %and3A_571, %add3A_771 : vector<256x64xi32>
      %select_n3A_773 = arith.select %lt3A_769, %add3A_772, %and3A_571 : vector<256x64xi1>, vector<256x64xi32>
      %reshape3A_774 = vector.shape_cast %select_n3A_773 : vector<256x64xi32> to vector<256x64x1xi32>
      %gather3A_775 = vector.shape_cast %reshape3A_774 : vector<256x64x1xi32> to vector<256x64xi32>
      %gather3A_776 = tpu.dynamic_gather %get3A_763[%gather3A_775] in [1] : vector<256x128xf32>, vector<256x64xi32> -> vector<256x64xf32>
      %select_n3A_777 = arith.select %eq3A_766, %gather3A_776, %select_n3A_760 : vector<256x64xi1>, vector<256x64xf32>
      %get3A_778 = arith.constant 0 : index
      %get3A_779 = arith.constant 1536 : index
      %get3A_780 = vector.load %arg1[%get3A_778, %get3A_779] : memref<256x4096xf32, #tpu.memory_space<vmem>>, vector<256x128xf32>
      %eq3A_781 = arith.constant 12 : i32
      %eq3A_782 = vector.broadcast %eq3A_781 : i32 to vector<256x64xi32>
      %eq3A_783 = arith.cmpi eq, %shift_right_logical3A_568, %eq3A_782 : vector<256x64xi32>
      %lt3A_784 = arith.constant 0 : i32
      %lt3A_785 = vector.broadcast %lt3A_784 : i32 to vector<256x64xi32>
      %lt3A_786 = arith.cmpi slt, %and3A_571, %lt3A_785 : vector<256x64xi32>
      %add3A_787 = arith.constant 128 : i32
      %add3A_788 = vector.broadcast %add3A_787 : i32 to vector<256x64xi32>
      %add3A_789 = arith.addi %and3A_571, %add3A_788 : vector<256x64xi32>
      %select_n3A_790 = arith.select %lt3A_786, %add3A_789, %and3A_571 : vector<256x64xi1>, vector<256x64xi32>
      %reshape3A_791 = vector.shape_cast %select_n3A_790 : vector<256x64xi32> to vector<256x64x1xi32>
      %gather3A_792 = vector.shape_cast %reshape3A_791 : vector<256x64x1xi32> to vector<256x64xi32>
      %gather3A_793 = tpu.dynamic_gather %get3A_780[%gather3A_792] in [1] : vector<256x128xf32>, vector<256x64xi32> -> vector<256x64xf32>
      %select_n3A_794 = arith.select %eq3A_783, %gather3A_793, %select_n3A_777 : vector<256x64xi1>, vector<256x64xf32>
      %get3A_795 = arith.constant 0 : index
      %get3A_796 = arith.constant 1664 : index
      %get3A_797 = vector.load %arg1[%get3A_795, %get3A_796] : memref<256x4096xf32, #tpu.memory_space<vmem>>, vector<256x128xf32>
      %eq3A_798 = arith.constant 13 : i32
      %eq3A_799 = vector.broadcast %eq3A_798 : i32 to vector<256x64xi32>
      %eq3A_800 = arith.cmpi eq, %shift_right_logical3A_568, %eq3A_799 : vector<256x64xi32>
      %lt3A_801 = arith.constant 0 : i32
      %lt3A_802 = vector.broadcast %lt3A_801 : i32 to vector<256x64xi32>
      %lt3A_803 = arith.cmpi slt, %and3A_571, %lt3A_802 : vector<256x64xi32>
      %add3A_804 = arith.constant 128 : i32
      %add3A_805 = vector.broadcast %add3A_804 : i32 to vector<256x64xi32>
      %add3A_806 = arith.addi %and3A_571, %add3A_805 : vector<256x64xi32>
      %select_n3A_807 = arith.select %lt3A_803, %add3A_806, %and3A_571 : vector<256x64xi1>, vector<256x64xi32>
      %reshape3A_808 = vector.shape_cast %select_n3A_807 : vector<256x64xi32> to vector<256x64x1xi32>
      %gather3A_809 = vector.shape_cast %reshape3A_808 : vector<256x64x1xi32> to vector<256x64xi32>
      %gather3A_810 = tpu.dynamic_gather %get3A_797[%gather3A_809] in [1] : vector<256x128xf32>, vector<256x64xi32> -> vector<256x64xf32>
      %select_n3A_811 = arith.select %eq3A_800, %gather3A_810, %select_n3A_794 : vector<256x64xi1>, vector<256x64xf32>
      %get3A_812 = arith.constant 0 : index
      %get3A_813 = arith.constant 1792 : index
      %get3A_814 = vector.load %arg1[%get3A_812, %get3A_813] : memref<256x4096xf32, #tpu.memory_space<vmem>>, vector<256x128xf32>
      %eq3A_815 = arith.constant 14 : i32
      %eq3A_816 = vector.broadcast %eq3A_815 : i32 to vector<256x64xi32>
      %eq3A_817 = arith.cmpi eq, %shift_right_logical3A_568, %eq3A_816 : vector<256x64xi32>
      %lt3A_818 = arith.constant 0 : i32
      %lt3A_819 = vector.broadcast %lt3A_818 : i32 to vector<256x64xi32>
      %lt3A_820 = arith.cmpi slt, %and3A_571, %lt3A_819 : vector<256x64xi32>
      %add3A_821 = arith.constant 128 : i32
      %add3A_822 = vector.broadcast %add3A_821 : i32 to vector<256x64xi32>
      %add3A_823 = arith.addi %and3A_571, %add3A_822 : vector<256x64xi32>
      %select_n3A_824 = arith.select %lt3A_820, %add3A_823, %and3A_571 : vector<256x64xi1>, vector<256x64xi32>
      %reshape3A_825 = vector.shape_cast %select_n3A_824 : vector<256x64xi32> to vector<256x64x1xi32>
      %gather3A_826 = vector.shape_cast %reshape3A_825 : vector<256x64x1xi32> to vector<256x64xi32>
      %gather3A_827 = tpu.dynamic_gather %get3A_814[%gather3A_826] in [1] : vector<256x128xf32>, vector<256x64xi32> -> vector<256x64xf32>
      %select_n3A_828 = arith.select %eq3A_817, %gather3A_827, %select_n3A_811 : vector<256x64xi1>, vector<256x64xf32>
      %get3A_829 = arith.constant 0 : index
      %get3A_830 = arith.constant 1920 : index
      %get3A_831 = vector.load %arg1[%get3A_829, %get3A_830] : memref<256x4096xf32, #tpu.memory_space<vmem>>, vector<256x128xf32>
      %eq3A_832 = arith.constant 15 : i32
      %eq3A_833 = vector.broadcast %eq3A_832 : i32 to vector<256x64xi32>
      %eq3A_834 = arith.cmpi eq, %shift_right_logical3A_568, %eq3A_833 : vector<256x64xi32>
      %lt3A_835 = arith.constant 0 : i32
      %lt3A_836 = vector.broadcast %lt3A_835 : i32 to vector<256x64xi32>
      %lt3A_837 = arith.cmpi slt, %and3A_571, %lt3A_836 : vector<256x64xi32>
      %add3A_838 = arith.constant 128 : i32
      %add3A_839 = vector.broadcast %add3A_838 : i32 to vector<256x64xi32>
      %add3A_840 = arith.addi %and3A_571, %add3A_839 : vector<256x64xi32>
      %select_n3A_841 = arith.select %lt3A_837, %add3A_840, %and3A_571 : vector<256x64xi1>, vector<256x64xi32>
      %reshape3A_842 = vector.shape_cast %select_n3A_841 : vector<256x64xi32> to vector<256x64x1xi32>
      %gather3A_843 = vector.shape_cast %reshape3A_842 : vector<256x64x1xi32> to vector<256x64xi32>
      %gather3A_844 = tpu.dynamic_gather %get3A_831[%gather3A_843] in [1] : vector<256x128xf32>, vector<256x64xi32> -> vector<256x64xf32>
      %select_n3A_845 = arith.select %eq3A_834, %gather3A_844, %select_n3A_828 : vector<256x64xi1>, vector<256x64xf32>
      %get3A_846 = arith.constant 0 : index
      %get3A_847 = arith.constant 2048 : index
      %get3A_848 = vector.load %arg1[%get3A_846, %get3A_847] : memref<256x4096xf32, #tpu.memory_space<vmem>>, vector<256x128xf32>
      %eq3A_849 = arith.constant 16 : i32
      %eq3A_850 = vector.broadcast %eq3A_849 : i32 to vector<256x64xi32>
      %eq3A_851 = arith.cmpi eq, %shift_right_logical3A_568, %eq3A_850 : vector<256x64xi32>
      %lt3A_852 = arith.constant 0 : i32
      %lt3A_853 = vector.broadcast %lt3A_852 : i32 to vector<256x64xi32>
      %lt3A_854 = arith.cmpi slt, %and3A_571, %lt3A_853 : vector<256x64xi32>
      %add3A_855 = arith.constant 128 : i32
      %add3A_856 = vector.broadcast %add3A_855 : i32 to vector<256x64xi32>
      %add3A_857 = arith.addi %and3A_571, %add3A_856 : vector<256x64xi32>
      %select_n3A_858 = arith.select %lt3A_854, %add3A_857, %and3A_571 : vector<256x64xi1>, vector<256x64xi32>
      %reshape3A_859 = vector.shape_cast %select_n3A_858 : vector<256x64xi32> to vector<256x64x1xi32>
      %gather3A_860 = vector.shape_cast %reshape3A_859 : vector<256x64x1xi32> to vector<256x64xi32>
      %gather3A_861 = tpu.dynamic_gather %get3A_848[%gather3A_860] in [1] : vector<256x128xf32>, vector<256x64xi32> -> vector<256x64xf32>
      %select_n3A_862 = arith.select %eq3A_851, %gather3A_861, %select_n3A_845 : vector<256x64xi1>, vector<256x64xf32>
      %get3A_863 = arith.constant 0 : index
      %get3A_864 = arith.constant 2176 : index
      %get3A_865 = vector.load %arg1[%get3A_863, %get3A_864] : memref<256x4096xf32, #tpu.memory_space<vmem>>, vector<256x128xf32>
      %eq3A_866 = arith.constant 17 : i32
      %eq3A_867 = vector.broadcast %eq3A_866 : i32 to vector<256x64xi32>
      %eq3A_868 = arith.cmpi eq, %shift_right_logical3A_568, %eq3A_867 : vector<256x64xi32>
      %lt3A_869 = arith.constant 0 : i32
      %lt3A_870 = vector.broadcast %lt3A_869 : i32 to vector<256x64xi32>
      %lt3A_871 = arith.cmpi slt, %and3A_571, %lt3A_870 : vector<256x64xi32>
      %add3A_872 = arith.constant 128 : i32
      %add3A_873 = vector.broadcast %add3A_872 : i32 to vector<256x64xi32>
      %add3A_874 = arith.addi %and3A_571, %add3A_873 : vector<256x64xi32>
      %select_n3A_875 = arith.select %lt3A_871, %add3A_874, %and3A_571 : vector<256x64xi1>, vector<256x64xi32>
      %reshape3A_876 = vector.shape_cast %select_n3A_875 : vector<256x64xi32> to vector<256x64x1xi32>
      %gather3A_877 = vector.shape_cast %reshape3A_876 : vector<256x64x1xi32> to vector<256x64xi32>
      %gather3A_878 = tpu.dynamic_gather %get3A_865[%gather3A_877] in [1] : vector<256x128xf32>, vector<256x64xi32> -> vector<256x64xf32>
      %select_n3A_879 = arith.select %eq3A_868, %gather3A_878, %select_n3A_862 : vector<256x64xi1>, vector<256x64xf32>
      %get3A_880 = arith.constant 0 : index
      %get3A_881 = arith.constant 2304 : index
      %get3A_882 = vector.load %arg1[%get3A_880, %get3A_881] : memref<256x4096xf32, #tpu.memory_space<vmem>>, vector<256x128xf32>
      %eq3A_883 = arith.constant 18 : i32
      %eq3A_884 = vector.broadcast %eq3A_883 : i32 to vector<256x64xi32>
      %eq3A_885 = arith.cmpi eq, %shift_right_logical3A_568, %eq3A_884 : vector<256x64xi32>
      %lt3A_886 = arith.constant 0 : i32
      %lt3A_887 = vector.broadcast %lt3A_886 : i32 to vector<256x64xi32>
      %lt3A_888 = arith.cmpi slt, %and3A_571, %lt3A_887 : vector<256x64xi32>
      %add3A_889 = arith.constant 128 : i32
      %add3A_890 = vector.broadcast %add3A_889 : i32 to vector<256x64xi32>
      %add3A_891 = arith.addi %and3A_571, %add3A_890 : vector<256x64xi32>
      %select_n3A_892 = arith.select %lt3A_888, %add3A_891, %and3A_571 : vector<256x64xi1>, vector<256x64xi32>
      %reshape3A_893 = vector.shape_cast %select_n3A_892 : vector<256x64xi32> to vector<256x64x1xi32>
      %gather3A_894 = vector.shape_cast %reshape3A_893 : vector<256x64x1xi32> to vector<256x64xi32>
      %gather3A_895 = tpu.dynamic_gather %get3A_882[%gather3A_894] in [1] : vector<256x128xf32>, vector<256x64xi32> -> vector<256x64xf32>
      %select_n3A_896 = arith.select %eq3A_885, %gather3A_895, %select_n3A_879 : vector<256x64xi1>, vector<256x64xf32>
      %get3A_897 = arith.constant 0 : index
      %get3A_898 = arith.constant 2432 : index
      %get3A_899 = vector.load %arg1[%get3A_897, %get3A_898] : memref<256x4096xf32, #tpu.memory_space<vmem>>, vector<256x128xf32>
      %eq3A_900 = arith.constant 19 : i32
      %eq3A_901 = vector.broadcast %eq3A_900 : i32 to vector<256x64xi32>
      %eq3A_902 = arith.cmpi eq, %shift_right_logical3A_568, %eq3A_901 : vector<256x64xi32>
      %lt3A_903 = arith.constant 0 : i32
      %lt3A_904 = vector.broadcast %lt3A_903 : i32 to vector<256x64xi32>
      %lt3A_905 = arith.cmpi slt, %and3A_571, %lt3A_904 : vector<256x64xi32>
      %add3A_906 = arith.constant 128 : i32
      %add3A_907 = vector.broadcast %add3A_906 : i32 to vector<256x64xi32>
      %add3A_908 = arith.addi %and3A_571, %add3A_907 : vector<256x64xi32>
      %select_n3A_909 = arith.select %lt3A_905, %add3A_908, %and3A_571 : vector<256x64xi1>, vector<256x64xi32>
      %reshape3A_910 = vector.shape_cast %select_n3A_909 : vector<256x64xi32> to vector<256x64x1xi32>
      %gather3A_911 = vector.shape_cast %reshape3A_910 : vector<256x64x1xi32> to vector<256x64xi32>
      %gather3A_912 = tpu.dynamic_gather %get3A_899[%gather3A_911] in [1] : vector<256x128xf32>, vector<256x64xi32> -> vector<256x64xf32>
      %select_n3A_913 = arith.select %eq3A_902, %gather3A_912, %select_n3A_896 : vector<256x64xi1>, vector<256x64xf32>
      %get3A_914 = arith.constant 0 : index
      %get3A_915 = arith.constant 2560 : index
      %get3A_916 = vector.load %arg1[%get3A_914, %get3A_915] : memref<256x4096xf32, #tpu.memory_space<vmem>>, vector<256x128xf32>
      %eq3A_917 = arith.constant 20 : i32
      %eq3A_918 = vector.broadcast %eq3A_917 : i32 to vector<256x64xi32>
      %eq3A_919 = arith.cmpi eq, %shift_right_logical3A_568, %eq3A_918 : vector<256x64xi32>
      %lt3A_920 = arith.constant 0 : i32
      %lt3A_921 = vector.broadcast %lt3A_920 : i32 to vector<256x64xi32>
      %lt3A_922 = arith.cmpi slt, %and3A_571, %lt3A_921 : vector<256x64xi32>
      %add3A_923 = arith.constant 128 : i32
      %add3A_924 = vector.broadcast %add3A_923 : i32 to vector<256x64xi32>
      %add3A_925 = arith.addi %and3A_571, %add3A_924 : vector<256x64xi32>
      %select_n3A_926 = arith.select %lt3A_922, %add3A_925, %and3A_571 : vector<256x64xi1>, vector<256x64xi32>
      %reshape3A_927 = vector.shape_cast %select_n3A_926 : vector<256x64xi32> to vector<256x64x1xi32>
      %gather3A_928 = vector.shape_cast %reshape3A_927 : vector<256x64x1xi32> to vector<256x64xi32>
      %gather3A_929 = tpu.dynamic_gather %get3A_916[%gather3A_928] in [1] : vector<256x128xf32>, vector<256x64xi32> -> vector<256x64xf32>
      %select_n3A_930 = arith.select %eq3A_919, %gather3A_929, %select_n3A_913 : vector<256x64xi1>, vector<256x64xf32>
      %get3A_931 = arith.constant 0 : index
      %get3A_932 = arith.constant 2688 : index
      %get3A_933 = vector.load %arg1[%get3A_931, %get3A_932] : memref<256x4096xf32, #tpu.memory_space<vmem>>, vector<256x128xf32>
      %eq3A_934 = arith.constant 21 : i32
      %eq3A_935 = vector.broadcast %eq3A_934 : i32 to vector<256x64xi32>
      %eq3A_936 = arith.cmpi eq, %shift_right_logical3A_568, %eq3A_935 : vector<256x64xi32>
      %lt3A_937 = arith.constant 0 : i32
      %lt3A_938 = vector.broadcast %lt3A_937 : i32 to vector<256x64xi32>
      %lt3A_939 = arith.cmpi slt, %and3A_571, %lt3A_938 : vector<256x64xi32>
      %add3A_940 = arith.constant 128 : i32
      %add3A_941 = vector.broadcast %add3A_940 : i32 to vector<256x64xi32>
      %add3A_942 = arith.addi %and3A_571, %add3A_941 : vector<256x64xi32>
      %select_n3A_943 = arith.select %lt3A_939, %add3A_942, %and3A_571 : vector<256x64xi1>, vector<256x64xi32>
      %reshape3A_944 = vector.shape_cast %select_n3A_943 : vector<256x64xi32> to vector<256x64x1xi32>
      %gather3A_945 = vector.shape_cast %reshape3A_944 : vector<256x64x1xi32> to vector<256x64xi32>
      %gather3A_946 = tpu.dynamic_gather %get3A_933[%gather3A_945] in [1] : vector<256x128xf32>, vector<256x64xi32> -> vector<256x64xf32>
      %select_n3A_947 = arith.select %eq3A_936, %gather3A_946, %select_n3A_930 : vector<256x64xi1>, vector<256x64xf32>
      %get3A_948 = arith.constant 0 : index
      %get3A_949 = arith.constant 2816 : index
      %get3A_950 = vector.load %arg1[%get3A_948, %get3A_949] : memref<256x4096xf32, #tpu.memory_space<vmem>>, vector<256x128xf32>
      %eq3A_951 = arith.constant 22 : i32
      %eq3A_952 = vector.broadcast %eq3A_951 : i32 to vector<256x64xi32>
      %eq3A_953 = arith.cmpi eq, %shift_right_logical3A_568, %eq3A_952 : vector<256x64xi32>
      %lt3A_954 = arith.constant 0 : i32
      %lt3A_955 = vector.broadcast %lt3A_954 : i32 to vector<256x64xi32>
      %lt3A_956 = arith.cmpi slt, %and3A_571, %lt3A_955 : vector<256x64xi32>
      %add3A_957 = arith.constant 128 : i32
      %add3A_958 = vector.broadcast %add3A_957 : i32 to vector<256x64xi32>
      %add3A_959 = arith.addi %and3A_571, %add3A_958 : vector<256x64xi32>
      %select_n3A_960 = arith.select %lt3A_956, %add3A_959, %and3A_571 : vector<256x64xi1>, vector<256x64xi32>
      %reshape3A_961 = vector.shape_cast %select_n3A_960 : vector<256x64xi32> to vector<256x64x1xi32>
      %gather3A_962 = vector.shape_cast %reshape3A_961 : vector<256x64x1xi32> to vector<256x64xi32>
      %gather3A_963 = tpu.dynamic_gather %get3A_950[%gather3A_962] in [1] : vector<256x128xf32>, vector<256x64xi32> -> vector<256x64xf32>
      %select_n3A_964 = arith.select %eq3A_953, %gather3A_963, %select_n3A_947 : vector<256x64xi1>, vector<256x64xf32>
      %get3A_965 = arith.constant 0 : index
      %get3A_966 = arith.constant 2944 : index
      %get3A_967 = vector.load %arg1[%get3A_965, %get3A_966] : memref<256x4096xf32, #tpu.memory_space<vmem>>, vector<256x128xf32>
      %eq3A_968 = arith.constant 23 : i32
      %eq3A_969 = vector.broadcast %eq3A_968 : i32 to vector<256x64xi32>
      %eq3A_970 = arith.cmpi eq, %shift_right_logical3A_568, %eq3A_969 : vector<256x64xi32>
      %lt3A_971 = arith.constant 0 : i32
      %lt3A_972 = vector.broadcast %lt3A_971 : i32 to vector<256x64xi32>
      %lt3A_973 = arith.cmpi slt, %and3A_571, %lt3A_972 : vector<256x64xi32>
      %add3A_974 = arith.constant 128 : i32
      %add3A_975 = vector.broadcast %add3A_974 : i32 to vector<256x64xi32>
      %add3A_976 = arith.addi %and3A_571, %add3A_975 : vector<256x64xi32>
      %select_n3A_977 = arith.select %lt3A_973, %add3A_976, %and3A_571 : vector<256x64xi1>, vector<256x64xi32>
      %reshape3A_978 = vector.shape_cast %select_n3A_977 : vector<256x64xi32> to vector<256x64x1xi32>
      %gather3A_979 = vector.shape_cast %reshape3A_978 : vector<256x64x1xi32> to vector<256x64xi32>
      %gather3A_980 = tpu.dynamic_gather %get3A_967[%gather3A_979] in [1] : vector<256x128xf32>, vector<256x64xi32> -> vector<256x64xf32>
      %select_n3A_981 = arith.select %eq3A_970, %gather3A_980, %select_n3A_964 : vector<256x64xi1>, vector<256x64xf32>
      %get3A_982 = arith.constant 0 : index
      %get3A_983 = arith.constant 3072 : index
      %get3A_984 = vector.load %arg1[%get3A_982, %get3A_983] : memref<256x4096xf32, #tpu.memory_space<vmem>>, vector<256x128xf32>
      %eq3A_985 = arith.constant 24 : i32
      %eq3A_986 = vector.broadcast %eq3A_985 : i32 to vector<256x64xi32>
      %eq3A_987 = arith.cmpi eq, %shift_right_logical3A_568, %eq3A_986 : vector<256x64xi32>
      %lt3A_988 = arith.constant 0 : i32
      %lt3A_989 = vector.broadcast %lt3A_988 : i32 to vector<256x64xi32>
      %lt3A_990 = arith.cmpi slt, %and3A_571, %lt3A_989 : vector<256x64xi32>
      %add3A_991 = arith.constant 128 : i32
      %add3A_992 = vector.broadcast %add3A_991 : i32 to vector<256x64xi32>
      %add3A_993 = arith.addi %and3A_571, %add3A_992 : vector<256x64xi32>
      %select_n3A_994 = arith.select %lt3A_990, %add3A_993, %and3A_571 : vector<256x64xi1>, vector<256x64xi32>
      %reshape3A_995 = vector.shape_cast %select_n3A_994 : vector<256x64xi32> to vector<256x64x1xi32>
      %gather3A_996 = vector.shape_cast %reshape3A_995 : vector<256x64x1xi32> to vector<256x64xi32>
      %gather3A_997 = tpu.dynamic_gather %get3A_984[%gather3A_996] in [1] : vector<256x128xf32>, vector<256x64xi32> -> vector<256x64xf32>
      %select_n3A_998 = arith.select %eq3A_987, %gather3A_997, %select_n3A_981 : vector<256x64xi1>, vector<256x64xf32>
      %get3A_999 = arith.constant 0 : index
      %get3A_1000 = arith.constant 3200 : index
      %get3A_1001 = vector.load %arg1[%get3A_999, %get3A_1000] : memref<256x4096xf32, #tpu.memory_space<vmem>>, vector<256x128xf32>
      %eq3A_1002 = arith.constant 25 : i32
      %eq3A_1003 = vector.broadcast %eq3A_1002 : i32 to vector<256x64xi32>
      %eq3A_1004 = arith.cmpi eq, %shift_right_logical3A_568, %eq3A_1003 : vector<256x64xi32>
      %lt3A_1005 = arith.constant 0 : i32
      %lt3A_1006 = vector.broadcast %lt3A_1005 : i32 to vector<256x64xi32>
      %lt3A_1007 = arith.cmpi slt, %and3A_571, %lt3A_1006 : vector<256x64xi32>
      %add3A_1008 = arith.constant 128 : i32
      %add3A_1009 = vector.broadcast %add3A_1008 : i32 to vector<256x64xi32>
      %add3A_1010 = arith.addi %and3A_571, %add3A_1009 : vector<256x64xi32>
      %select_n3A_1011 = arith.select %lt3A_1007, %add3A_1010, %and3A_571 : vector<256x64xi1>, vector<256x64xi32>
      %reshape3A_1012 = vector.shape_cast %select_n3A_1011 : vector<256x64xi32> to vector<256x64x1xi32>
      %gather3A_1013 = vector.shape_cast %reshape3A_1012 : vector<256x64x1xi32> to vector<256x64xi32>
      %gather3A_1014 = tpu.dynamic_gather %get3A_1001[%gather3A_1013] in [1] : vector<256x128xf32>, vector<256x64xi32> -> vector<256x64xf32>
      %select_n3A_1015 = arith.select %eq3A_1004, %gather3A_1014, %select_n3A_998 : vector<256x64xi1>, vector<256x64xf32>
      %get3A_1016 = arith.constant 0 : index
      %get3A_1017 = arith.constant 3328 : index
      %get3A_1018 = vector.load %arg1[%get3A_1016, %get3A_1017] : memref<256x4096xf32, #tpu.memory_space<vmem>>, vector<256x128xf32>
      %eq3A_1019 = arith.constant 26 : i32
      %eq3A_1020 = vector.broadcast %eq3A_1019 : i32 to vector<256x64xi32>
      %eq3A_1021 = arith.cmpi eq, %shift_right_logical3A_568, %eq3A_1020 : vector<256x64xi32>
      %lt3A_1022 = arith.constant 0 : i32
      %lt3A_1023 = vector.broadcast %lt3A_1022 : i32 to vector<256x64xi32>
      %lt3A_1024 = arith.cmpi slt, %and3A_571, %lt3A_1023 : vector<256x64xi32>
      %add3A_1025 = arith.constant 128 : i32
      %add3A_1026 = vector.broadcast %add3A_1025 : i32 to vector<256x64xi32>
      %add3A_1027 = arith.addi %and3A_571, %add3A_1026 : vector<256x64xi32>
      %select_n3A_1028 = arith.select %lt3A_1024, %add3A_1027, %and3A_571 : vector<256x64xi1>, vector<256x64xi32>
      %reshape3A_1029 = vector.shape_cast %select_n3A_1028 : vector<256x64xi32> to vector<256x64x1xi32>
      %gather3A_1030 = vector.shape_cast %reshape3A_1029 : vector<256x64x1xi32> to vector<256x64xi32>
      %gather3A_1031 = tpu.dynamic_gather %get3A_1018[%gather3A_1030] in [1] : vector<256x128xf32>, vector<256x64xi32> -> vector<256x64xf32>
      %select_n3A_1032 = arith.select %eq3A_1021, %gather3A_1031, %select_n3A_1015 : vector<256x64xi1>, vector<256x64xf32>
      %get3A_1033 = arith.constant 0 : index
      %get3A_1034 = arith.constant 3456 : index
      %get3A_1035 = vector.load %arg1[%get3A_1033, %get3A_1034] : memref<256x4096xf32, #tpu.memory_space<vmem>>, vector<256x128xf32>
      %eq3A_1036 = arith.constant 27 : i32
      %eq3A_1037 = vector.broadcast %eq3A_1036 : i32 to vector<256x64xi32>
      %eq3A_1038 = arith.cmpi eq, %shift_right_logical3A_568, %eq3A_1037 : vector<256x64xi32>
      %lt3A_1039 = arith.constant 0 : i32
      %lt3A_1040 = vector.broadcast %lt3A_1039 : i32 to vector<256x64xi32>
      %lt3A_1041 = arith.cmpi slt, %and3A_571, %lt3A_1040 : vector<256x64xi32>
      %add3A_1042 = arith.constant 128 : i32
      %add3A_1043 = vector.broadcast %add3A_1042 : i32 to vector<256x64xi32>
      %add3A_1044 = arith.addi %and3A_571, %add3A_1043 : vector<256x64xi32>
      %select_n3A_1045 = arith.select %lt3A_1041, %add3A_1044, %and3A_571 : vector<256x64xi1>, vector<256x64xi32>
      %reshape3A_1046 = vector.shape_cast %select_n3A_1045 : vector<256x64xi32> to vector<256x64x1xi32>
      %gather3A_1047 = vector.shape_cast %reshape3A_1046 : vector<256x64x1xi32> to vector<256x64xi32>
      %gather3A_1048 = tpu.dynamic_gather %get3A_1035[%gather3A_1047] in [1] : vector<256x128xf32>, vector<256x64xi32> -> vector<256x64xf32>
      %select_n3A_1049 = arith.select %eq3A_1038, %gather3A_1048, %select_n3A_1032 : vector<256x64xi1>, vector<256x64xf32>
      %get3A_1050 = arith.constant 0 : index
      %get3A_1051 = arith.constant 3584 : index
      %get3A_1052 = vector.load %arg1[%get3A_1050, %get3A_1051] : memref<256x4096xf32, #tpu.memory_space<vmem>>, vector<256x128xf32>
      %eq3A_1053 = arith.constant 28 : i32
      %eq3A_1054 = vector.broadcast %eq3A_1053 : i32 to vector<256x64xi32>
      %eq3A_1055 = arith.cmpi eq, %shift_right_logical3A_568, %eq3A_1054 : vector<256x64xi32>
      %lt3A_1056 = arith.constant 0 : i32
      %lt3A_1057 = vector.broadcast %lt3A_1056 : i32 to vector<256x64xi32>
      %lt3A_1058 = arith.cmpi slt, %and3A_571, %lt3A_1057 : vector<256x64xi32>
      %add3A_1059 = arith.constant 128 : i32
      %add3A_1060 = vector.broadcast %add3A_1059 : i32 to vector<256x64xi32>
      %add3A_1061 = arith.addi %and3A_571, %add3A_1060 : vector<256x64xi32>
      %select_n3A_1062 = arith.select %lt3A_1058, %add3A_1061, %and3A_571 : vector<256x64xi1>, vector<256x64xi32>
      %reshape3A_1063 = vector.shape_cast %select_n3A_1062 : vector<256x64xi32> to vector<256x64x1xi32>
      %gather3A_1064 = vector.shape_cast %reshape3A_1063 : vector<256x64x1xi32> to vector<256x64xi32>
      %gather3A_1065 = tpu.dynamic_gather %get3A_1052[%gather3A_1064] in [1] : vector<256x128xf32>, vector<256x64xi32> -> vector<256x64xf32>
      %select_n3A_1066 = arith.select %eq3A_1055, %gather3A_1065, %select_n3A_1049 : vector<256x64xi1>, vector<256x64xf32>
      %get3A_1067 = arith.constant 0 : index
      %get3A_1068 = arith.constant 3712 : index
      %get3A_1069 = vector.load %arg1[%get3A_1067, %get3A_1068] : memref<256x4096xf32, #tpu.memory_space<vmem>>, vector<256x128xf32>
      %eq3A_1070 = arith.constant 29 : i32
      %eq3A_1071 = vector.broadcast %eq3A_1070 : i32 to vector<256x64xi32>
      %eq3A_1072 = arith.cmpi eq, %shift_right_logical3A_568, %eq3A_1071 : vector<256x64xi32>
      %lt3A_1073 = arith.constant 0 : i32
      %lt3A_1074 = vector.broadcast %lt3A_1073 : i32 to vector<256x64xi32>
      %lt3A_1075 = arith.cmpi slt, %and3A_571, %lt3A_1074 : vector<256x64xi32>
      %add3A_1076 = arith.constant 128 : i32
      %add3A_1077 = vector.broadcast %add3A_1076 : i32 to vector<256x64xi32>
      %add3A_1078 = arith.addi %and3A_571, %add3A_1077 : vector<256x64xi32>
      %select_n3A_1079 = arith.select %lt3A_1075, %add3A_1078, %and3A_571 : vector<256x64xi1>, vector<256x64xi32>
      %reshape3A_1080 = vector.shape_cast %select_n3A_1079 : vector<256x64xi32> to vector<256x64x1xi32>
      %gather3A_1081 = vector.shape_cast %reshape3A_1080 : vector<256x64x1xi32> to vector<256x64xi32>
      %gather3A_1082 = tpu.dynamic_gather %get3A_1069[%gather3A_1081] in [1] : vector<256x128xf32>, vector<256x64xi32> -> vector<256x64xf32>
      %select_n3A_1083 = arith.select %eq3A_1072, %gather3A_1082, %select_n3A_1066 : vector<256x64xi1>, vector<256x64xf32>
      %get3A_1084 = arith.constant 0 : index
      %get3A_1085 = arith.constant 3840 : index
      %get3A_1086 = vector.load %arg1[%get3A_1084, %get3A_1085] : memref<256x4096xf32, #tpu.memory_space<vmem>>, vector<256x128xf32>
      %eq3A_1087 = arith.constant 30 : i32
      %eq3A_1088 = vector.broadcast %eq3A_1087 : i32 to vector<256x64xi32>
      %eq3A_1089 = arith.cmpi eq, %shift_right_logical3A_568, %eq3A_1088 : vector<256x64xi32>
      %lt3A_1090 = arith.constant 0 : i32
      %lt3A_1091 = vector.broadcast %lt3A_1090 : i32 to vector<256x64xi32>
      %lt3A_1092 = arith.cmpi slt, %and3A_571, %lt3A_1091 : vector<256x64xi32>
      %add3A_1093 = arith.constant 128 : i32
      %add3A_1094 = vector.broadcast %add3A_1093 : i32 to vector<256x64xi32>
      %add3A_1095 = arith.addi %and3A_571, %add3A_1094 : vector<256x64xi32>
      %select_n3A_1096 = arith.select %lt3A_1092, %add3A_1095, %and3A_571 : vector<256x64xi1>, vector<256x64xi32>
      %reshape3A_1097 = vector.shape_cast %select_n3A_1096 : vector<256x64xi32> to vector<256x64x1xi32>
      %gather3A_1098 = vector.shape_cast %reshape3A_1097 : vector<256x64x1xi32> to vector<256x64xi32>
      %gather3A_1099 = tpu.dynamic_gather %get3A_1086[%gather3A_1098] in [1] : vector<256x128xf32>, vector<256x64xi32> -> vector<256x64xf32>
      %select_n3A_1100 = arith.select %eq3A_1089, %gather3A_1099, %select_n3A_1083 : vector<256x64xi1>, vector<256x64xf32>
      %get3A_1101 = arith.constant 0 : index
      %get3A_1102 = arith.constant 3968 : index
      %get3A_1103 = vector.load %arg1[%get3A_1101, %get3A_1102] : memref<256x4096xf32, #tpu.memory_space<vmem>>, vector<256x128xf32>
      %eq3A_1104 = arith.constant 31 : i32
      %eq3A_1105 = vector.broadcast %eq3A_1104 : i32 to vector<256x64xi32>
      %eq3A_1106 = arith.cmpi eq, %shift_right_logical3A_568, %eq3A_1105 : vector<256x64xi32>
      %lt3A_1107 = arith.constant 0 : i32
      %lt3A_1108 = vector.broadcast %lt3A_1107 : i32 to vector<256x64xi32>
      %lt3A_1109 = arith.cmpi slt, %and3A_571, %lt3A_1108 : vector<256x64xi32>
      %add3A_1110 = arith.constant 128 : i32
      %add3A_1111 = vector.broadcast %add3A_1110 : i32 to vector<256x64xi32>
      %add3A_1112 = arith.addi %and3A_571, %add3A_1111 : vector<256x64xi32>
      %select_n3A_1113 = arith.select %lt3A_1109, %add3A_1112, %and3A_571 : vector<256x64xi1>, vector<256x64xi32>
      %reshape3A_1114 = vector.shape_cast %select_n3A_1113 : vector<256x64xi32> to vector<256x64x1xi32>
      %gather3A_1115 = vector.shape_cast %reshape3A_1114 : vector<256x64x1xi32> to vector<256x64xi32>
      %gather3A_1116 = tpu.dynamic_gather %get3A_1103[%gather3A_1115] in [1] : vector<256x128xf32>, vector<256x64xi32> -> vector<256x64xf32>
      %select_n3A_1117 = arith.select %eq3A_1106, %gather3A_1116, %select_n3A_1100 : vector<256x64xi1>, vector<256x64xf32>
      %sub3A_1118 = arith.constant 1.000000e+00 : f32
      %sub3A_1119 = vector.broadcast %sub3A_1118 : f32 to vector<256x64xf32>
      %sub3A_1120 = arith.subf %sub3A_1119, %sub3A : vector<256x64xf32>
      %mul3A = arith.mulf %select_n3A_545, %sub3A_1120 : vector<256x64xf32>
      %mul3A_1121 = arith.mulf %select_n3A_1117, %sub3A : vector<256x64xf32>
      %add3A_1122 = arith.addf %mul3A, %mul3A_1121 : vector<256x64xf32>
      %swap3A_1123 = arith.constant 0 : index
      %swap3A_1124 = arith.constant 0 : index
      %swap3A_1125 = vector.load %arg3[%swap3A_1123, %swap3A_1124] : memref<256x64xf32, #tpu.memory_space<vmem>>, vector<256x64xf32>
      tpu.vector_store %arg3[%swap3A_1123, %swap3A_1124], %add3A_1122 {strides = array<i32>} : memref<256x64xf32, #tpu.memory_space<vmem>>, vector<256x64xf32>,
    } else {
    }
    return
  }
  func.func @transform_0(%arg0: i32) -> (i32, i32) {
    %add3A = arith.constant 12 : i32
    %add3A_0 = arith.addi %add3A, %arg0 : i32
    %c0_i32 = arith.constant 0 : i32
    %c0_i32_1 = arith.constant 0 : i32
    return %add3A_0, %c0_i32 : i32, i32
  }
  func.func @transform_1(%arg0: i32) -> (i32, i32) {
    %add3A = arith.constant 12 : i32
    %add3A_0 = arith.addi %add3A, %arg0 : i32
    %c0_i32 = arith.constant 0 : i32
    %c0_i32_1 = arith.constant 0 : i32
    return %add3A_0, %c0_i32 : i32, i32
  }
  func.func @transform_2(%arg0: i32) -> (i32, i32) {
    %c0_i32 = arith.constant 0 : i32
    %c0_i32_0 = arith.constant 0 : i32
    return %arg0, %c0_i32 : i32, i32
  }
}

</mosaic_0001>

<sc_bundles>
// kernel: kernel.4.cloned.1.call-start
scs
__scs_entry_jumppad:
0x0: {  	(pc) =	sbr.rel $0x88, $3  }
0x1: {  	(tag) =	ssettag $0x0;
	lr =	simm.s32 $0x1  }
0x2: {  	[smem:$0x3F9F] =	sst lr;
	_ =	strace $0xD0000000  }
0x3: {  	_ = 	snop  }
0x4: {  	_ = 	snop  }
0x5: {  	_ = 	snop  }
0x6: {  	_ = 	snop  }
0x7: {  	_ = 	snop  }
__scs_overlays_trampoline_lowered:
0x8: {  	[smem:$0x3FAE] =	sst s0  }
0x9: {  	[smem:$0x3FAF] =	sst s1  }
0xa: {  	[smem:$0x3FB0] =	sst s2  }
0xb: {  	[smem:$0x3FB1] =	sst s3  }
0xc: {  	[smem:$0x3FB2] =	sst s4  }
0xd: {  	[smem:$0x3FB3] =	sst s5  }
0xe: {  	[smem:$0x3FB4] =	sst s6  }
0xf: {  	[smem:$0x3FB5] =	sst s7  }
0x10: {  	[smem:$0x3FB6] =	sst s8  }
0x11: {  	[smem:$0x3FB7] =	sst s9;
	s0 =	simm.s32 @!p0 $0x0  }
0x12: {  	s1 =	sld [smem:$0x3F9D];
	s0 =	simm.s32 @p0 $0x1  }
0x13: {  	[smem:$0x3FB8] =	sst s0;
	s0 =	simm.s32 @!p1 $0x0  }
0x14: {  	s2 =	sld [smem:$0x3F9C];
	s0 =	simm.s32 @p1 $0x1  }
0x15: {  	[smem:$0x3FB9] =	sst s0;
	s0 =	simm.s32 @!p2 $0x0  }
0x16: {  	s3 =	sld [smem:$0x3FDB];
	s0 =	simm.s32 @p2 $0x1  }
0x17: {  	s4 =	simm.s32 $0x1BF5;
	[smem:$0x3FBB] =	sst s0  }
0x18: {  	s0 =	sld [smem:$0x3F9E];
	_ =	swait.ge [sflag:s4], $0x0  }
0x19: {  	s7 =	sld [smem:$0x3F9F]  }
0x1a: {  	s8 =	sadd.s32 $0xFFFFE003, lr  }
0x1b: {  	s9 =	sadd.s32 $0xFFFFFEF7, lr;
	s5 =	simm.s32 $0xFFFFFFFF;
	p2 =	slt.u32 s8, $0xFFFFF086  }
0x1c: {  	p1 =	slt.u32 s9, $0xF7A;
	s5 =	simm.s32 @!p2 $0x0  }
0x1d: {  	s5 =	simm.s32 @p1 $0x1;
	p0 =	seq.s32 s7, s2  }
0x1e: {  	s7 =	smul.u32 @!p0 $0xF7A, s2;
	p2 =	seq.s32 @!p0 s5, $0x0  }
0x1f: {  	s9 =	smul.u32 $0xF7A, s1;
	s8 =	simm.s32 @!p0 $0x1BF5;
	p2 =	por !p2, p0  }
0x20: {  	[sflag:s8] =	ssyncset.s32 @!p0 $0xFFFFF086;
	s6 =	sadd.s32 @!p0 s3, s7;
	s7 =	simm.s32 @!p0 $0x108  }
0x21: {  	s3 =	sadd.s32 s3, s9;
	s6 =	sadd.s32 @!p0 $0x88, s6;
	s7 =	simm.s32 @p2 $0x1082  }
0x22: {  	[simem:s7], [sflag:s8] =	dma.local @!p0 [hbm:s6], $0xF7A  }
0x23: {  	s9 =	sor.u32 $0xD0000000, s2;
	s6 =	simm.s32 $0x108;
	_ =	swait.ge @!p0 [sflag:s8], $0x0  }
0x24: {  	s3 =	sadd.s32 $0x88, s3;
	s6 =	simm.s32 @!p1 $0x1082;
	[sflag:s4] =	ssyncset.s32 $0xFFFFF086  }
0x25: {  	[simem:s6], [sflag:s4] =	dma.local [hbm:s3], $0xF7A  }
0x26: {  	[smem:$0x3F9F] =	sst s1;
	(tag) =	ssettag s2;
	_ =	strace s9  }
0x27: {  	s1 =	sld [smem:$0x3FAF]  }
0x28: {  	s2 =	sld [smem:$0x3FB0]  }
0x29: {  	s4 =	sld [smem:$0x3FB2]  }
0x2a: {  	p0 =	seq.s32 s5, $0x0;
	s5 =	sld [smem:$0x3FB3]  }
0x2b: {  	s6 =	sld [smem:$0x3FB4]  }
0x2c: {  	s7 =	sld [smem:$0x3FB5]  }
0x2d: {  	s3 =	simm.s32 $0x108;
	s8 =	sld [smem:$0x3FB6]  }
0x2e: {  	s3 =	simm.s32 @!p0 $0x1082;
	s9 =	sld [smem:$0x3FB7]  }
0x2f: {  	lr =	sadd.s32 s0, s3;
	s0 =	sld [smem:$0x3FAE]  }
0x30: {  	s3 =	sld [smem:$0x3FB1]  }
0x31: {  	[smem:$0x3FBA] =	sst s10  }
0x32: {  	s10 =	sld [smem:$0x3FB8];
	_ =	sdelay $0x3  }
0x33: {  	p0 =	seq.s32 s10, $0x1;
	s10 =	sld [smem:$0x3FBA];
	_ =	sdelay $0x3  }
0x34: {  	[smem:$0x3FBA] =	sst s10  }
0x35: {  	s10 =	sld [smem:$0x3FB9];
	_ =	sdelay $0x3  }
0x36: {  	p1 =	seq.s32 s10, $0x1;
	s10 =	sld [smem:$0x3FBA];
	_ =	sdelay $0x3  }
0x37: {  	[smem:$0x3FBA] =	sst s10  }
0x38: {  	s10 =	sld [smem:$0x3FBB]  }
0x39: {  	_ = 	snop;
	(pc) =	sbr.ind lr, $3  }
0x3a: {  	_ = 	snop  }
0x3b: {  	_ = 	snop  }
0x3c: {  	p2 =	seq.s32 s10, $0x1;
	s10 =	sld [smem:$0x3FBA]  }
0x3d: {  	_ =	shalt  }
0x3e: {  	_ =	shalt  }
0x3f: {  	_ =	shalt  }
0x40: {  	_ =	shalt  }
0x41: {  	_ =	shalt  }
0x42: {  	_ =	shalt  }
0x43: {  	_ =	shalt  }
0x44: {  	_ =	shalt  }
0x45: {  	_ =	shalt  }
0x46: {  	_ =	shalt  }
0x47: {  	_ =	shalt  }
0x48: {  	_ =	shalt  }
0x49: {  	_ =	shalt  }
0x4a: {  	_ =	shalt  }
0x4b: {  	_ =	shalt  }
0x4c: {  	_ =	shalt  }
0x4d: {  	_ =	shalt  }
0x4e: {  	_ =	shalt  }
0x4f: {  	_ =	shalt  }
0x50: {  	_ =	shalt  }
0x51: {  	_ =	shalt  }
0x52: {  	_ =	shalt  }
0x53: {  	_ =	shalt  }
0x54: {  	_ =	shalt  }
0x55: {  	_ =	shalt  }
0x56: {  	_ =	shalt  }
0x57: {  	_ =	shalt  }
0x58: {  	_ =	shalt  }
0x59: {  	_ =	shalt  }
0x5a: {  	_ =	shalt  }
0x5b: {  	_ =	shalt  }
0x5c: {  	_ =	shalt  }
0x5d: {  	_ =	shalt  }
0x5e: {  	_ =	shalt  }
0x5f: {  	_ =	shalt  }
0x60: {  	_ =	shalt  }
0x61: {  	_ =	shalt  }
0x62: {  	_ =	shalt  }
0x63: {  	_ =	shalt  }
0x64: {  	_ =	shalt  }
0x65: {  	_ =	shalt  }
0x66: {  	_ =	shalt  }
0x67: {  	_ =	shalt  }
0x68: {  	_ =	shalt  }
0x69: {  	_ =	shalt  }
0x6a: {  	_ =	shalt  }
0x6b: {  	_ =	shalt  }
0x6c: {  	_ =	shalt  }
0x6d: {  	_ =	shalt  }
0x6e: {  	_ =	shalt  }
0x6f: {  	_ =	shalt  }
0x70: {  	_ =	shalt  }
0x71: {  	_ =	shalt  }
0x72: {  	_ =	shalt  }
0x73: {  	_ =	shalt  }
0x74: {  	_ =	shalt  }
0x75: {  	_ =	shalt  }
0x76: {  	_ =	shalt  }
0x77: {  	_ =	shalt  }
0x78: {  	_ =	shalt  }
0x79: {  	_ =	shalt  }
0x7a: {  	_ =	shalt  }
0x7b: {  	_ =	shalt  }
0x7c: {  	_ =	shalt  }
0x7d: {  	_ =	shalt  }
0x7e: {  	_ =	shalt  }
0x7f: {  	_ =	shalt  }
0x80: {  	_ =	shalt  }
0x81: {  	_ =	shalt  }
0x82: {  	_ =	shalt  }
0x83: {  	_ =	shalt  }
0x84: {  	_ =	shalt  }
0x85: {  	_ =	shalt  }
0x86: {  	_ =	shalt  }
0x87: {  	_ =	shalt  }
.Lfunc_end0:
.L_simem_size_0:
called_computation_lowered:
.L_overlay_start_0:
0x88: {  	s2 =	sld [smem:$0x3FD9]  }
0x89: {  	s3 =	sld [smem:$0x3FFE];
	_ =	sdelay $0x1  }
0x8a: {  	s1 =	srdreg.scid  }
0x8b: {  	s0 =	sand.u32 $0x1, s1  }
0x8c: {  	s17 =	sshll.u32 s0, $0xA;
	s2 =	sadd.s32 s3, s2  }
0x8d: {  	s2 =	sadd.s32 s2, s17  }
0x8e: {  	[smem:$0x3FC6] =	sst s2  }
0x8f: {  	_ = 	snop  }
0x90: {  	s2 =	sld [smem:$0x3FC9];
	(tm) =	ssettm $0x1  }
0x91: {  	s18 =	sld [smem:$0x3FFB];
	_ =	sdelay $0x3  }
0x92: {  	_ =	strace s18  }
0x93: {  	s3 =	sld [smem:$0x3FFC];
	_ =	sdelay $0x3  }
0x94: {  	_ =	strace s3  }
0x95: {  	s3 =	sld [smem:$0x3FFD];
	_ =	sdelay $0x3  }
0x96: {  	_ =	strace s3  }
0x97: {  	_ =	strace $0x8FFFFFFF  }
0x98: {  	s19 =	sld [smem:$0x3FDB];
	_ =	sdelay $0x1  }
0x99: {  	s4 =	simm.s32 $_scs_section_size  }
0x9a: {  	s5 =	simm.s32 $_size__tile_overlayer_lowered;
	s6 =	simm.s32 $_tile_overlayer_lowered  }
0x9b: {  	s22 =	simm.s32 $0x1BFF;
	s21 =	sshll.u32 s6, $0x1;
	s3 =	sadd.s32 s4, s19  }
0x9c: {  	s7 =	simm.s32 $0x0;
	s20 =	sshll.u32 s5, $0x1;
	s5 =	sadd.s32 s21, s3  }
0x9d: {  	[timem:s7], [sflag:s22] =	dma.local [hbm:s5], s20  }
0x9e: {  	_ =	swait.ge [sflag:s22], s20  }
0x9f: {  	s4 =	ssub.s32 $0x0, s20;
	[sflag:s22] =	ssyncset.done $0x0  }
0xa0: {  	[sflag:s22] =	ssyncadd.s32 s4;
	_ =	sdelay $0x1  }
0xa1: {  	s23 =	simm.s32 $0x1B8B  }
0xa2: {  	_ =	swait.ge [sflag:s23], $0x1  }
0xa3: {  	[sflag:s23] =	ssyncset.done $0x0  }
0xa4: {  	s25 =	simm.s32 $0x1B8E;
	s24 =	sld [smem:$0x3FFE];
	[sflag:s23] =	ssyncadd.s32 $0xFFFFFFFF  }
0xa5: {  	s26 =	simm.s32 $execute0_lowered;
	[smem:$0x3FD2] =	sst s25  }
0xa6: {  	s5 =	sshll.u32 s26, $0x1;
	_ =	strace $0x80000046;
	[dreg:$0x1] =	wrdreg $0xFFFFFFFF  }
0xa7: {  	s28 =	simm.s32 $_size_execute0_lowered;
	s3 =	sadd.s32 s3, s5;
	[dreg:$0x0] =	wrdreg $0x0  }
0xa8: {  	s5 =	sshll.u32 s28, $0x1;
	[dreg:$0x2] =	wrdreg s3  }
0xa9: {  	[dreg:$0x3] =	wrdreg s5  }
0xaa: {  	[dreg:$0x4] =	wrdreg $0xC0  }
0xab: {  	_ =	task [dreg:s7], $0x5FFFF  }
0xac: {  	[dreg:$0x1] =	wrdreg $0xFFFFFFFF  }
0xad: {  	[dreg:$0x0] =	wrdreg $0x60  }
0xae: {  	[dreg:$0x2] =	wrdreg s2  }
0xaf: {  	[dreg:$0x3] =	wrdreg s24  }
0xb0: {  	[dreg:$0x4] =	wrdreg $0x9  }
0xb1: {  	_ =	task.clear_ibuf [dreg:s7], $0x5FFFF;
	_ =	strace $0x90000046  }
0xb2: {  	s29 =	simm.s32 $0x9;
	_ =	strace $0x80000048  }
0xb3: {  	_ =	swait.ge [sflag:s29], $0x1  }
0xb4: {  	[sflag:s29] =	ssyncadd.s32 $0xFFFFFFFF  }
0xb5: {  	_ =	strace $0x90000048  }
0xb6: {  	_ =	sfence  }
0xb7: {  	s30 =	sld [smem:$0x0];
	_ =	sdelay $0x2  }
0xb8: {  	s31 =	sshll.u32 s1, $0xD;
	s1 =	sshrl.u32 s1, $0x2  }
0xb9: {  	s3 =	sand.u32 $0x4000, s31;
	s1 =	sadd.s32 s1, s30  }
0xba: {  	s0 =	sor.u32 s3, s0;
	s1 =	sshll.u32 s1, $0x11  }
0xbb: {  	s0 =	sor.u32 s1, s0  }
0xbc: {  	s0 =	sadd.s32 $0x8F2B, s0  }
0xbd: {  	[sflag:s0] =	ssyncadd.remote.s32 $0x1  }
0xbe: {  	_ =	sfence.sel $0xFFFF  }
0xbf: {  	[dreg:$0x0] =	wrdreg $0xFFFFFFFF;
	(pc) =	sbr.abs _section_cstart, $3  }
0xc0: {  	[dreg:$0x1] =	wrdreg $0xFFFFFFFF  }
0xc1: {  	_ =	task.clear_ibuf [dreg:s7], $0x2FFFF;
	_ =	strace $0x9FFFFFFF  }
0xc2: {  	(tm) =	ssettm $0x7FFFFFFF  }
0xc3: {  	_ =	shalt  }
tec
execute0_lowered:
.L_overlay_start_1:
0x0: {  	(tag) =	ssettag $0x1  }
0x1: {  	s2 =	rddreg [dreg:$0x0];
	s0 =	srdreg.scid  }
0x2: {  	s3 =	stileid.u32;
	s1 =	rddreg [dreg:$0x1]  }
0x3: {  	s14 =	simm.s32 $0x200;
	s15 =	simm.s32 $0x400;
	s16 =	simm.s32 $0x4000  }
0x4: {  	s17 =	simm.s32 $0x8000;
	s18 =	simm.s32 $0xC000;
	s20 =	simm.s32 $0x5  }
0x5: {  	s21 =	simm.s32 $0x1;
	s0 =	sand.u32 $0x1, s0;
	s3 =	sshll.u32 s3, $0x1  }
0x6: {  	s22 =	simm.s32 $0x2;
	s6 =	sor.u32 s0, s3;
	s0 =	ssub.s32 $0x2, s0  }
0x7: {  	s23 =	simm.s32 $0x3;
	s5 =	sshrl.u32 s0, $0x1;
	s7 =	smul.u32 $0xC000, s6  }
0x8: {  	s3 =	simm.s32 $0x0;
	s0 =	ssub.s32 s0, s5;
	s5 =	sadd.s32 $0x40, s2  }
0x9: {  	[smem:$0x7FF] =	sst s3;
	s29 =	sadd.s32 s2, s7;
	s7 =	sadd.s32 s7, s5  }
0xa: {  	s24 =	simm.s32 $0x4;
	_ =	strace $0x80000047;
	[dreg:$0x4] =	wrdreg s7  }
0xb: {  	s4 =	smul.u32 $0x600, s6;
	s0 =	smax.u32 s0, $0x1;
	[dreg:$0x3] =	wrdreg s29  }
.Ltmp0:
0xc: {  	s30 =	sadd.s32 $0x1000, s29;
	[dreg:$0x9] =	wrdreg s0;
	(pc) =	sbr.rel .LBB2_1-.Ltmp0, $4  }
0xd: {  	s1 =	sadd.s32 s4, s1;
	s4 =	sadd.s32 $0x1040, s29;
	[dreg:$0x5] =	wrdreg s30  }
0xe: {  	s6 =	smul.u32 $0x60000, s6;
	s31 =	sadd.s32 $0x600, s1;
	[dreg:$0x6] =	wrdreg s4  }
0xf: {  	s26 =	simm.s32 $0x0;
	s1 =	sadd.s32 $0x10600, s1;
	[dreg:$0x7] =	wrdreg s31  }
0x10: {  	s10 =	sor.u32 $0x10000, s6;
	s11 =	sor.u32 $0x18000, s6;
	[dreg:$0x8] =	wrdreg s1  }
.LBB2_12:
0x11: {  	s0 =	rddreg [dreg:$0x8];
	s1 =	simm.s32 $0x13000  }
0x12: {  	[hbm4b:s0+s3] =	stream.linear.scatter [tilespmem:s1], [sflag:$0x5], $0x3000, $0x38;
	[tilespmem:$0x16000] =	vst v63  }
0x13: {  	_ =	swait.ge [sflag:s20], $0x3000  }
0x14: {  	s26 =	sadd.s32 $0x1, s26;
	s31 =	rddreg [dreg:$0x9]  }
0x15: {  	p0 =	sne.s32 s26, s31  }
.Ltmp1:
0x16: {  	_ = 	snop;
	(pc) =	sbr.rel @!p0 .LBB2_13-.Ltmp1, $3  }
0x17: {  	_ =	sdelay $0x1  }
0x18: {  	[sflag:s20] =	ssyncset.done $0x0  }
0x19: {  	[sflag:s20] =	ssyncadd.s32 $0xFFFFD000  }
.LBB2_1:
0x1a: {  	s0 =	rddreg [dreg:$0x3]  }
0x1b: {  	s19 =	rddreg [dreg:$0x4]  }
0x1c: {  	[tilespmem:s3], [sflag:$0x1] =	stream.strided.gather [hbm4b:s0+s14], $0x4000, s15, s14, $0x38;
	[tilespmem:$0x16000] =	vst v63  }
0x1d: {  	s25 =	rddreg [dreg:$0x5]  }
0x1e: {  	[tilespmem:s16], [sflag:$0x2] =	stream.strided.gather [hbm4b:s19+s14], $0x4000, s15, s14, $0x38;
	[tilespmem:$0x16000] =	vst v63  }
0x1f: {  	s30 =	rddreg [dreg:$0x6]  }
0x20: {  	[tilespmem:s17], [sflag:$0x3] =	stream.strided.gather [hbm4b:s25+s14], $0x4000, s15, s14, $0x38;
	[tilespmem:$0x16000] =	vst v63  }
0x21: {  	s31 =	rddreg [dreg:$0x7];
	s1 =	simm.s32 $0x10000  }
0x22: {  	[tilespmem:s18], [sflag:$0x4] =	stream.strided.gather [hbm4b:s30+s14], $0x4000, s15, s14, $0x38;
	[tilespmem:$0x16000] =	vst v63  }
0x23: {  	s28 =	simm.s32 $0x13020;
	s29 =	simm.s32 $0x10020;
	s13 =	simm.s32 $0x13230  }
0x24: {  	[tilespmem:s1], [sflag:$0x5] =	stream.linear.gather [hbm4b:s31+s3], $0x3000, $0x38;
	[tilespmem:$0x16000] =	vst v63  }
0x25: {  	s12 =	simm.s32 $0x10230;
	s6 =	simm.s32 $0x0;
	_ =	swait.ge [sflag:s20], $0x3000  }
0x26: {  	s0 =	simm.s32 $0x10430;
	s19 =	simm.s32 $0x13630;
	[sflag:s20] =	ssyncset.done $0x0  }
0x27: {  	s25 =	simm.s32 $0x10630;
	s1 =	simm.s32 $0x13430;
	[sflag:s20] =	ssyncadd.s32 $0xFFFFD000  }
.LBB2_2:
0x28: {  	_ =	swait.ge [sflag:s21], $0x4000  }
0x29: {  	s7 =	simm.s32 $0x0;
	[sflag:s21] =	ssyncset.done $0x0  }
0x2a: {  	s8 =	smov.u32 s29;
	s9 =	smov.u32 s28;
	[sflag:s21] =	ssyncadd.s32 $0xFFFFC000  }
.LBB2_3:
0x2b: {  	v0 =	vld [tilespmem:s8+$0xFFFFFFE0];
	_ =	sdelay $0x4  }
0x2c: {  	v2 =	vmov s7;
	v1 =	vtrunc.f32 v0  }
0x2d: {  	v2 =	vshll.u32 v2, $0x7;
	v1 =	vcvt.f32.s32 v1  }
0x2e: {  	v2 =	vand.u32 $0x180, v2  }
0x2f: {  	v2 =	vbroadcast v2, $0x0;
	v4 =	vshll.u32 v1, $0x2;
	v5 =	vadd.s32 $0x1, v1  }
0x30: {  	v3 =	vand.u32 $0x7F, v1;
	v4 =	vand.u32 $0xFFFFFE00, v4;
	v6 =	vshll.u32 v5, $0x2  }
0x31: {  	v44 =	vand.u32 $0x7F, v5;
	v3 =	vor.u32 v4, v3;
	v45 =	vand.u32 $0xFFFFFE00, v6  }
0x32: {  	v3 =	vor.u32 v2, v3;
	v4 =	vor.u32 v45, v44  }
0x33: {  	v4 =	vor.u32 v2, v4;
	_ =	sdelay $0x3  }
0x34: {  	v1 =	vcvt.s32.f32 v1;
	v3 =	vld.idx.msk [tilespmem:v3+s3+$0x0], $0xffff  }
0x35: {  	v4 =	vld.idx.msk [tilespmem:v4+s3+$0x0], $0xffff  }
0x36: {  	v0 =	vsub.f32 v0, v1;
	_ =	sdelay $0x1  }
0x37: {  	v1 =	vsub.f32 $1.000000000e+00, v0;
	_ =	sdelay $0x1  }
0x38: {  	v1 =	vmul.f32 v1, v3;
	v0 =	vmul.f32 v0, v4;
	_ =	sdelay $0x1  }
0x39: {  	v0 =	vadd.f32 v1, v0;
	_ =	sdelay $0x1  }
0x3a: {  	[tilespmem:s9+$0xFFFFFFE0] =	vst v0  }
0x3b: {  	v0 =	vld [tilespmem:s8+$0xFFFFFFF0];
	_ =	sdelay $0x4  }
0x3c: {  	v46 =	vtrunc.f32 v0  }
0x3d: {  	v1 =	vcvt.f32.s32 v46;
	_ =	sdelay $0x1  }
0x3e: {  	v47 =	vshll.u32 v1, $0x2;
	v48 =	vadd.s32 $0x1, v1  }
0x3f: {  	v49 =	vand.u32 $0x7F, v1;
	v3 =	vand.u32 $0xFFFFFE00, v47;
	v50 =	vshll.u32 v48, $0x2  }
0x40: {  	v4 =	vand.u32 $0x7F, v48;
	v3 =	vor.u32 v3, v49;
	v51 =	vand.u32 $0xFFFFFE00, v50  }
0x41: {  	v3 =	vor.u32 v2, v3;
	v4 =	vor.u32 v51, v4  }
0x42: {  	v4 =	vor.u32 v2, v4;
	_ =	sdelay $0x3  }
0x43: {  	v1 =	vcvt.s32.f32 v1;
	v3 =	vld.idx.msk [tilespmem:v3+s3+$0x0], $0xffff  }
0x44: {  	v4 =	vld.idx.msk [tilespmem:v4+s3+$0x0], $0xffff  }
0x45: {  	v0 =	vsub.f32 v0, v1;
	_ =	sdelay $0x1  }
0x46: {  	v1 =	vsub.f32 $1.000000000e+00, v0;
	_ =	sdelay $0x1  }
0x47: {  	v1 =	vmul.f32 v1, v3;
	v0 =	vmul.f32 v0, v4;
	_ =	sdelay $0x1  }
0x48: {  	v0 =	vadd.f32 v1, v0;
	_ =	sdelay $0x1  }
0x49: {  	[tilespmem:s9+$0xFFFFFFF0] =	vst v0  }
0x4a: {  	v0 =	vld [tilespmem:s8+$0x0];
	_ =	sdelay $0x4  }
0x4b: {  	v52 =	vtrunc.f32 v0  }
0x4c: {  	v1 =	vcvt.f32.s32 v52;
	_ =	sdelay $0x1  }
0x4d: {  	v53 =	vshll.u32 v1, $0x2;
	v54 =	vadd.s32 $0x1, v1  }
0x4e: {  	v55 =	vand.u32 $0x7F, v1;
	v3 =	vand.u32 $0xFFFFFE00, v53;
	v56 =	vshll.u32 v54, $0x2  }
0x4f: {  	v4 =	vand.u32 $0x7F, v54;
	v3 =	vor.u32 v3, v55;
	v57 =	vand.u32 $0xFFFFFE00, v56  }
0x50: {  	v3 =	vor.u32 v2, v3;
	v4 =	vor.u32 v57, v4  }
0x51: {  	v4 =	vor.u32 v2, v4;
	_ =	sdelay $0x3  }
0x52: {  	v1 =	vcvt.s32.f32 v1;
	v3 =	vld.idx.msk [tilespmem:v3+s3+$0x0], $0xffff  }
0x53: {  	v4 =	vld.idx.msk [tilespmem:v4+s3+$0x0], $0xffff  }
0x54: {  	v0 =	vsub.f32 v0, v1;
	_ =	sdelay $0x1  }
0x55: {  	v1 =	vsub.f32 $1.000000000e+00, v0;
	_ =	sdelay $0x1  }
0x56: {  	v1 =	vmul.f32 v1, v3;
	v0 =	vmul.f32 v0, v4;
	_ =	sdelay $0x1  }
0x57: {  	v0 =	vadd.f32 v1, v0;
	_ =	sdelay $0x1  }
0x58: {  	[tilespmem:s9+$0x0] =	vst v0  }
0x59: {  	v0 =	vld [tilespmem:s8+$0x10];
	_ =	sdelay $0x4  }
0x5a: {  	v58 =	vtrunc.f32 v0  }
0x5b: {  	v1 =	vcvt.f32.s32 v58;
	_ =	sdelay $0x1  }
0x5c: {  	v59 =	vshll.u32 v1, $0x2;
	v60 =	vadd.s32 $0x1, v1  }
0x5d: {  	v61 =	vand.u32 $0x7F, v1;
	v3 =	vand.u32 $0xFFFFFE00, v59;
	v62 =	vshll.u32 v60, $0x2  }
0x5e: {  	v4 =	vand.u32 $0x7F, v60;
	v3 =	vor.u32 v3, v61;
	v63 =	vand.u32 $0xFFFFFE00, v62  }
0x5f: {  	v4 =	vor.u32 v63, v4;
	v3 =	vor.u32 v2, v3  }
0x60: {  	v2 =	vor.u32 v2, v4;
	_ =	sdelay $0x3  }
0x61: {  	v1 =	vcvt.s32.f32 v1;
	v3 =	vld.idx.msk [tilespmem:v3+s3+$0x0], $0xffff  }
0x62: {  	v2 =	vld.idx.msk [tilespmem:v2+s3+$0x0], $0xffff  }
0x63: {  	v0 =	vsub.f32 v0, v1;
	_ =	sdelay $0x1  }
0x64: {  	v1 =	vsub.f32 $1.000000000e+00, v0  }
0x65: {  	p0 =	sne.s32 s7, $0x3  }
.Ltmp2:
0x66: {  	v1 =	vmul.f32 v1, v3;
	v0 =	vmul.f32 v0, v2;
	(pc) =	sbr.rel @p0 .LBB2_3-.Ltmp2, $3  }
0x67: {  	_ = 	snop  }
0x68: {  	v0 =	vadd.f32 v1, v0;
	_ =	sdelay $0x1  }
0x69: {  	s7 =	sadd.s32 $0x1, s7;
	s8 =	sadd.s32 $0x80, s8;
	[tilespmem:s9+$0x10] =	vst v0;
	s9 =	sadd.s32 $0x80, s9  }
0x6a: {  	s7 =	sshll.u32 s6, $0x10;
	p0 =	seq.s32 s6, $0x5  }
0x6b: {  	s8 =	sadd.s32 @!p0 s7, s10  }
0x6c: {  	s30 =	simm.s32 @!p0 $0x200;
	s8 =	sshrl.u32 @!p0 s8, $0x3  }
0x6d: {  	s31 =	simm.s32 @!p0 $0x400;
	s4 =	simm.s32 @!p0 $0x0;
	s9 =	sadd.s32 @!p0 s2, s8  }
0x6e: {  	[tilespmem:s4], [sflag:$0x1] =	stream.strided.gather @!p0 [hbm4b:s9+s30], $0x4000, s31, s30, $0x38;
	[tilespmem:$0x16000] =	vst v63  }
0x6f: {  	_ =	swait.ge [sflag:s22], $0x4000  }
0x70: {  	s9 =	simm.s32 $0x0;
	[sflag:s22] =	ssyncset.done $0x0  }
0x71: {  	s31 =	smov.u32 s12;
	s30 =	smov.u32 s13;
	[sflag:s22] =	ssyncadd.s32 $0xFFFFC000  }
.LBB2_5:
0x72: {  	v0 =	vld [tilespmem:s31+$0xFFFFFFD0];
	_ =	sdelay $0x4  }
0x73: {  	v2 =	vmov s9;
	v1 =	vtrunc.f32 v0  }
0x74: {  	v2 =	vshll.u32 v2, $0x7;
	v1 =	vcvt.f32.s32 v1  }
0x75: {  	v2 =	vand.u32 $0x180, v2  }
0x76: {  	v2 =	vbroadcast v2, $0x0;
	v4 =	vshll.u32 v1, $0x2;
	v5 =	vadd.s32 $0x1, v1  }
0x77: {  	v3 =	vand.u32 $0x7F, v1;
	v4 =	vand.u32 $0xFFFFFE00, v4;
	v6 =	vshll.u32 v5, $0x2  }
0x78: {  	v44 =	vand.u32 $0x7F, v5;
	v3 =	vor.u32 v4, v3;
	v45 =	vand.u32 $0xFFFFFE00, v6  }
0x79: {  	v3 =	vor.u32 v2, v3;
	v4 =	vor.u32 v45, v44  }
0x7a: {  	v4 =	vor.u32 v2, v4;
	_ =	sdelay $0x3  }
0x7b: {  	v1 =	vcvt.s32.f32 v1;
	v3 =	vld.idx.msk [tilespmem:v3+s16+$0x0], $0xffff  }
0x7c: {  	v4 =	vld.idx.msk [tilespmem:v4+s16+$0x0], $0xffff  }
0x7d: {  	v0 =	vsub.f32 v0, v1;
	_ =	sdelay $0x1  }
0x7e: {  	v1 =	vsub.f32 $1.000000000e+00, v0;
	_ =	sdelay $0x1  }
0x7f: {  	v1 =	vmul.f32 v1, v3;
	v0 =	vmul.f32 v0, v4;
	_ =	sdelay $0x1  }
0x80: {  	v0 =	vadd.f32 v1, v0;
	_ =	sdelay $0x1  }
0x81: {  	[tilespmem:s30+$0xFFFFFFD0] =	vst v0  }
0x82: {  	v0 =	vld [tilespmem:s31+$0xFFFFFFE0];
	_ =	sdelay $0x4  }
0x83: {  	v46 =	vtrunc.f32 v0  }
0x84: {  	v1 =	vcvt.f32.s32 v46;
	_ =	sdelay $0x1  }
0x85: {  	v47 =	vshll.u32 v1, $0x2;
	v48 =	vadd.s32 $0x1, v1  }
0x86: {  	v49 =	vand.u32 $0x7F, v1;
	v3 =	vand.u32 $0xFFFFFE00, v47;
	v50 =	vshll.u32 v48, $0x2  }
0x87: {  	v4 =	vand.u32 $0x7F, v48;
	v3 =	vor.u32 v3, v49;
	v51 =	vand.u32 $0xFFFFFE00, v50  }
0x88: {  	v3 =	vor.u32 v2, v3;
	v4 =	vor.u32 v51, v4  }
0x89: {  	v4 =	vor.u32 v2, v4;
	_ =	sdelay $0x3  }
0x8a: {  	v1 =	vcvt.s32.f32 v1;
	v3 =	vld.idx.msk [tilespmem:v3+s16+$0x0], $0xffff  }
0x8b: {  	v4 =	vld.idx.msk [tilespmem:v4+s16+$0x0], $0xffff  }
0x8c: {  	v0 =	vsub.f32 v0, v1;
	_ =	sdelay $0x1  }
0x8d: {  	v1 =	vsub.f32 $1.000000000e+00, v0;
	_ =	sdelay $0x1  }
0x8e: {  	v1 =	vmul.f32 v1, v3;
	v0 =	vmul.f32 v0, v4;
	_ =	sdelay $0x1  }
0x8f: {  	v0 =	vadd.f32 v1, v0;
	_ =	sdelay $0x1  }
0x90: {  	[tilespmem:s30+$0xFFFFFFE0] =	vst v0  }
0x91: {  	v0 =	vld [tilespmem:s31+$0xFFFFFFF0];
	_ =	sdelay $0x4  }
0x92: {  	v52 =	vtrunc.f32 v0  }
0x93: {  	v1 =	vcvt.f32.s32 v52;
	_ =	sdelay $0x1  }
0x94: {  	v53 =	vshll.u32 v1, $0x2;
	v54 =	vadd.s32 $0x1, v1  }
0x95: {  	v55 =	vand.u32 $0x7F, v1;
	v3 =	vand.u32 $0xFFFFFE00, v53;
	v56 =	vshll.u32 v54, $0x2  }
0x96: {  	v4 =	vand.u32 $0x7F, v54;
	v3 =	vor.u32 v3, v55;
	v57 =	vand.u32 $0xFFFFFE00, v56  }
0x97: {  	v3 =	vor.u32 v2, v3;
	v4 =	vor.u32 v57, v4  }
0x98: {  	v4 =	vor.u32 v2, v4;
	_ =	sdelay $0x3  }
0x99: {  	v1 =	vcvt.s32.f32 v1;
	v3 =	vld.idx.msk [tilespmem:v3+s16+$0x0], $0xffff  }
0x9a: {  	v4 =	vld.idx.msk [tilespmem:v4+s16+$0x0], $0xffff  }
0x9b: {  	v0 =	vsub.f32 v0, v1;
	_ =	sdelay $0x1  }
0x9c: {  	v1 =	vsub.f32 $1.000000000e+00, v0;
	_ =	sdelay $0x1  }
0x9d: {  	v1 =	vmul.f32 v1, v3;
	v0 =	vmul.f32 v0, v4;
	_ =	sdelay $0x1  }
0x9e: {  	v0 =	vadd.f32 v1, v0;
	_ =	sdelay $0x1  }
0x9f: {  	[tilespmem:s30+$0xFFFFFFF0] =	vst v0  }
0xa0: {  	v0 =	vld [tilespmem:s31+$0x0];
	_ =	sdelay $0x4  }
0xa1: {  	v58 =	vtrunc.f32 v0  }
0xa2: {  	v1 =	vcvt.f32.s32 v58;
	_ =	sdelay $0x1  }
0xa3: {  	v59 =	vshll.u32 v1, $0x2;
	v60 =	vadd.s32 $0x1, v1  }
0xa4: {  	v61 =	vand.u32 $0x7F, v1;
	v3 =	vand.u32 $0xFFFFFE00, v59;
	v62 =	vshll.u32 v60, $0x2  }
0xa5: {  	v4 =	vand.u32 $0x7F, v60;
	v3 =	vor.u32 v3, v61;
	v63 =	vand.u32 $0xFFFFFE00, v62  }
0xa6: {  	v4 =	vor.u32 v63, v4;
	v3 =	vor.u32 v2, v3  }
0xa7: {  	v2 =	vor.u32 v2, v4;
	_ =	sdelay $0x3  }
0xa8: {  	v1 =	vcvt.s32.f32 v1;
	v3 =	vld.idx.msk [tilespmem:v3+s16+$0x0], $0xffff  }
0xa9: {  	v2 =	vld.idx.msk [tilespmem:v2+s16+$0x0], $0xffff  }
0xaa: {  	v0 =	vsub.f32 v0, v1;
	_ =	sdelay $0x1  }
0xab: {  	v1 =	vsub.f32 $1.000000000e+00, v0  }
0xac: {  	p1 =	sne.s32 s9, $0x3  }
.Ltmp3:
0xad: {  	v1 =	vmul.f32 v1, v3;
	v0 =	vmul.f32 v0, v2;
	(pc) =	sbr.rel @p1 .LBB2_5-.Ltmp3, $3  }
0xae: {  	_ = 	snop  }
0xaf: {  	v0 =	vadd.f32 v1, v0;
	_ =	sdelay $0x1  }
0xb0: {  	s9 =	sadd.s32 $0x1, s9;
	s31 =	sadd.s32 $0x80, s31;
	[tilespmem:s30+$0x0] =	vst v0;
	s30 =	sadd.s32 $0x80, s30  }
0xb1: {  	s4 =	sadd.s32 @!p0 s8, s5  }
0xb2: {  	s8 =	simm.s32 @!p0 $0x200;
	s9 =	simm.s32 @!p0 $0x400;
	s30 =	simm.s32 @!p0 $0x4000  }
0xb3: {  	[tilespmem:s30], [sflag:$0x2] =	stream.strided.gather @!p0 [hbm4b:s4+s8], $0x4000, s9, s8, $0x38;
	[tilespmem:$0x16000] =	vst v63  }
0xb4: {  	_ =	swait.ge [sflag:s23], $0x4000  }
0xb5: {  	s8 =	simm.s32 $0x0;
	[sflag:s23] =	ssyncset.done $0x0  }
0xb6: {  	s9 =	smov.u32 s0;
	s30 =	smov.u32 s1;
	[sflag:s23] =	ssyncadd.s32 $0xFFFFC000  }
.LBB2_7:
0xb7: {  	v0 =	vld [tilespmem:s9+$0xFFFFFFD0];
	_ =	sdelay $0x4  }
0xb8: {  	v2 =	vmov s8;
	v1 =	vtrunc.f32 v0  }
0xb9: {  	v2 =	vshll.u32 v2, $0x7;
	v1 =	vcvt.f32.s32 v1  }
0xba: {  	v2 =	vand.u32 $0x180, v2  }
0xbb: {  	v2 =	vbroadcast v2, $0x0;
	v4 =	vshll.u32 v1, $0x2;
	v5 =	vadd.s32 $0x1, v1  }
0xbc: {  	v3 =	vand.u32 $0x7F, v1;
	v4 =	vand.u32 $0xFFFFFE00, v4;
	v6 =	vshll.u32 v5, $0x2  }
0xbd: {  	v44 =	vand.u32 $0x7F, v5;
	v3 =	vor.u32 v4, v3;
	v45 =	vand.u32 $0xFFFFFE00, v6  }
0xbe: {  	v3 =	vor.u32 v2, v3;
	v4 =	vor.u32 v45, v44  }
0xbf: {  	v4 =	vor.u32 v2, v4;
	_ =	sdelay $0x3  }
0xc0: {  	v1 =	vcvt.s32.f32 v1;
	v3 =	vld.idx.msk [tilespmem:v3+s17+$0x0], $0xffff  }
0xc1: {  	v4 =	vld.idx.msk [tilespmem:v4+s17+$0x0], $0xffff  }
0xc2: {  	v0 =	vsub.f32 v0, v1;
	_ =	sdelay $0x1  }
0xc3: {  	v1 =	vsub.f32 $1.000000000e+00, v0;
	_ =	sdelay $0x1  }
0xc4: {  	v1 =	vmul.f32 v1, v3;
	v0 =	vmul.f32 v0, v4;
	_ =	sdelay $0x1  }
0xc5: {  	v0 =	vadd.f32 v1, v0;
	_ =	sdelay $0x1  }
0xc6: {  	[tilespmem:s30+$0xFFFFFFD0] =	vst v0  }
0xc7: {  	v0 =	vld [tilespmem:s9+$0xFFFFFFE0];
	_ =	sdelay $0x4  }
0xc8: {  	v46 =	vtrunc.f32 v0  }
0xc9: {  	v1 =	vcvt.f32.s32 v46;
	_ =	sdelay $0x1  }
0xca: {  	v47 =	vshll.u32 v1, $0x2;
	v48 =	vadd.s32 $0x1, v1  }
0xcb: {  	v49 =	vand.u32 $0x7F, v1;
	v3 =	vand.u32 $0xFFFFFE00, v47;
	v50 =	vshll.u32 v48, $0x2  }
0xcc: {  	v4 =	vand.u32 $0x7F, v48;
	v3 =	vor.u32 v3, v49;
	v51 =	vand.u32 $0xFFFFFE00, v50  }
0xcd: {  	v3 =	vor.u32 v2, v3;
	v4 =	vor.u32 v51, v4  }
0xce: {  	v4 =	vor.u32 v2, v4;
	_ =	sdelay $0x3  }
0xcf: {  	v1 =	vcvt.s32.f32 v1;
	v3 =	vld.idx.msk [tilespmem:v3+s17+$0x0], $0xffff  }
0xd0: {  	v4 =	vld.idx.msk [tilespmem:v4+s17+$0x0], $0xffff  }
0xd1: {  	v0 =	vsub.f32 v0, v1;
	_ =	sdelay $0x1  }
0xd2: {  	v1 =	vsub.f32 $1.000000000e+00, v0;
	_ =	sdelay $0x1  }
0xd3: {  	v1 =	vmul.f32 v1, v3;
	v0 =	vmul.f32 v0, v4;
	_ =	sdelay $0x1  }
0xd4: {  	v0 =	vadd.f32 v1, v0;
	_ =	sdelay $0x1  }
0xd5: {  	[tilespmem:s30+$0xFFFFFFE0] =	vst v0  }
0xd6: {  	v0 =	vld [tilespmem:s9+$0xFFFFFFF0];
	_ =	sdelay $0x4  }
0xd7: {  	v52 =	vtrunc.f32 v0  }
0xd8: {  	v1 =	vcvt.f32.s32 v52;
	_ =	sdelay $0x1  }
0xd9: {  	v53 =	vshll.u32 v1, $0x2;
	v54 =	vadd.s32 $0x1, v1  }
0xda: {  	v55 =	vand.u32 $0x7F, v1;
	v3 =	vand.u32 $0xFFFFFE00, v53;
	v56 =	vshll.u32 v54, $0x2  }
0xdb: {  	v4 =	vand.u32 $0x7F, v54;
	v3 =	vor.u32 v3, v55;
	v57 =	vand.u32 $0xFFFFFE00, v56  }
0xdc: {  	v3 =	vor.u32 v2, v3;
	v4 =	vor.u32 v57, v4  }
0xdd: {  	v4 =	vor.u32 v2, v4;
	_ =	sdelay $0x3  }
0xde: {  	v1 =	vcvt.s32.f32 v1;
	v3 =	vld.idx.msk [tilespmem:v3+s17+$0x0], $0xffff  }
0xdf: {  	v4 =	vld.idx.msk [tilespmem:v4+s17+$0x0], $0xffff  }
0xe0: {  	v0 =	vsub.f32 v0, v1;
	_ =	sdelay $0x1  }
0xe1: {  	v1 =	vsub.f32 $1.000000000e+00, v0;
	_ =	sdelay $0x1  }
0xe2: {  	v1 =	vmul.f32 v1, v3;
	v0 =	vmul.f32 v0, v4;
	_ =	sdelay $0x1  }
0xe3: {  	v0 =	vadd.f32 v1, v0;
	_ =	sdelay $0x1  }
0xe4: {  	[tilespmem:s30+$0xFFFFFFF0] =	vst v0  }
0xe5: {  	v0 =	vld [tilespmem:s9+$0x0];
	_ =	sdelay $0x4  }
0xe6: {  	v58 =	vtrunc.f32 v0  }
0xe7: {  	v1 =	vcvt.f32.s32 v58;
	_ =	sdelay $0x1  }
0xe8: {  	v59 =	vshll.u32 v1, $0x2;
	v60 =	vadd.s32 $0x1, v1  }
0xe9: {  	v61 =	vand.u32 $0x7F, v1;
	v3 =	vand.u32 $0xFFFFFE00, v59;
	v62 =	vshll.u32 v60, $0x2  }
0xea: {  	v4 =	vand.u32 $0x7F, v60;
	v3 =	vor.u32 v3, v61;
	v63 =	vand.u32 $0xFFFFFE00, v62  }
0xeb: {  	v4 =	vor.u32 v63, v4;
	v3 =	vor.u32 v2, v3  }
0xec: {  	v2 =	vor.u32 v2, v4;
	_ =	sdelay $0x3  }
0xed: {  	v1 =	vcvt.s32.f32 v1;
	v3 =	vld.idx.msk [tilespmem:v3+s17+$0x0], $0xffff  }
0xee: {  	v2 =	vld.idx.msk [tilespmem:v2+s17+$0x0], $0xffff  }
0xef: {  	v0 =	vsub.f32 v0, v1;
	_ =	sdelay $0x1  }
0xf0: {  	v1 =	vsub.f32 $1.000000000e+00, v0  }
0xf1: {  	p1 =	sne.s32 s8, $0x3  }
.Ltmp4:
0xf2: {  	v1 =	vmul.f32 v1, v3;
	v0 =	vmul.f32 v0, v2;
	(pc) =	sbr.rel @p1 .LBB2_7-.Ltmp4, $3  }
0xf3: {  	_ = 	snop  }
0xf4: {  	v0 =	vadd.f32 v1, v0;
	_ =	sdelay $0x1  }
0xf5: {  	s8 =	sadd.s32 $0x1, s8;
	s9 =	sadd.s32 $0x80, s9;
	[tilespmem:s30+$0x0] =	vst v0;
	s30 =	sadd.s32 $0x80, s30  }
0xf6: {  	s4 =	sadd.s32 @!p0 s7, s11  }
0xf7: {  	s8 =	simm.s32 @!p0 $0x200;
	s4 =	sshrl.u32 @!p0 s4, $0x3  }
0xf8: {  	s9 =	simm.s32 @!p0 $0x400;
	s30 =	simm.s32 @!p0 $0x8000;
	s4 =	sadd.s32 @!p0 s2, s4  }
0xf9: {  	[tilespmem:s30], [sflag:$0x3] =	stream.strided.gather @!p0 [hbm4b:s4+s8], $0x4000, s9, s8, $0x38;
	[tilespmem:$0x16000] =	vst v63  }
0xfa: {  	_ =	swait.ge [sflag:s24], $0x4000  }
0xfb: {  	s8 =	simm.s32 $0x0;
	[sflag:s24] =	ssyncset.done $0x0  }
0xfc: {  	s9 =	smov.u32 s25;
	s30 =	smov.u32 s19;
	[sflag:s24] =	ssyncadd.s32 $0xFFFFC000  }
.LBB2_9:
0xfd: {  	v0 =	vld [tilespmem:s9+$0xFFFFFFD0];
	_ =	sdelay $0x4  }
0xfe: {  	v2 =	vmov s8;
	v1 =	vtrunc.f32 v0  }
0xff: {  	v2 =	vshll.u32 v2, $0x7;
	v1 =	vcvt.f32.s32 v1  }
0x100: {  	v2 =	vand.u32 $0x180, v2  }
0x101: {  	v2 =	vbroadcast v2, $0x0;
	v4 =	vshll.u32 v1, $0x2;
	v5 =	vadd.s32 $0x1, v1  }
0x102: {  	v3 =	vand.u32 $0x7F, v1;
	v4 =	vand.u32 $0xFFFFFE00, v4;
	v6 =	vshll.u32 v5, $0x2  }
0x103: {  	v44 =	vand.u32 $0x7F, v5;
	v3 =	vor.u32 v4, v3;
	v45 =	vand.u32 $0xFFFFFE00, v6  }
0x104: {  	v3 =	vor.u32 v2, v3;
	v4 =	vor.u32 v45, v44  }
0x105: {  	v4 =	vor.u32 v2, v4;
	_ =	sdelay $0x3  }
0x106: {  	v1 =	vcvt.s32.f32 v1;
	v3 =	vld.idx.msk [tilespmem:v3+s18+$0x0], $0xffff  }
0x107: {  	v4 =	vld.idx.msk [tilespmem:v4+s18+$0x0], $0xffff  }
0x108: {  	v0 =	vsub.f32 v0, v1;
	_ =	sdelay $0x1  }
0x109: {  	v1 =	vsub.f32 $1.000000000e+00, v0;
	_ =	sdelay $0x1  }
0x10a: {  	v1 =	vmul.f32 v1, v3;
	v0 =	vmul.f32 v0, v4;
	_ =	sdelay $0x1  }
0x10b: {  	v0 =	vadd.f32 v1, v0;
	_ =	sdelay $0x1  }
0x10c: {  	[tilespmem:s30+$0xFFFFFFD0] =	vst v0  }
0x10d: {  	v0 =	vld [tilespmem:s9+$0xFFFFFFE0];
	_ =	sdelay $0x4  }
0x10e: {  	v46 =	vtrunc.f32 v0  }
0x10f: {  	v1 =	vcvt.f32.s32 v46;
	_ =	sdelay $0x1  }
0x110: {  	v47 =	vshll.u32 v1, $0x2;
	v48 =	vadd.s32 $0x1, v1  }
0x111: {  	v49 =	vand.u32 $0x7F, v1;
	v3 =	vand.u32 $0xFFFFFE00, v47;
	v50 =	vshll.u32 v48, $0x2  }
0x112: {  	v4 =	vand.u32 $0x7F, v48;
	v3 =	vor.u32 v3, v49;
	v51 =	vand.u32 $0xFFFFFE00, v50  }
0x113: {  	v3 =	vor.u32 v2, v3;
	v4 =	vor.u32 v51, v4  }
0x114: {  	v4 =	vor.u32 v2, v4;
	_ =	sdelay $0x3  }
0x115: {  	v1 =	vcvt.s32.f32 v1;
	v3 =	vld.idx.msk [tilespmem:v3+s18+$0x0], $0xffff  }
0x116: {  	v4 =	vld.idx.msk [tilespmem:v4+s18+$0x0], $0xffff  }
0x117: {  	v0 =	vsub.f32 v0, v1;
	_ =	sdelay $0x1  }
0x118: {  	v1 =	vsub.f32 $1.000000000e+00, v0;
	_ =	sdelay $0x1  }
0x119: {  	v1 =	vmul.f32 v1, v3;
	v0 =	vmul.f32 v0, v4;
	_ =	sdelay $0x1  }
0x11a: {  	v0 =	vadd.f32 v1, v0;
	_ =	sdelay $0x1  }
0x11b: {  	[tilespmem:s30+$0xFFFFFFE0] =	vst v0  }
0x11c: {  	v0 =	vld [tilespmem:s9+$0xFFFFFFF0];
	_ =	sdelay $0x4  }
0x11d: {  	v52 =	vtrunc.f32 v0  }
0x11e: {  	v1 =	vcvt.f32.s32 v52;
	_ =	sdelay $0x1  }
0x11f: {  	v53 =	vshll.u32 v1, $0x2;
	v54 =	vadd.s32 $0x1, v1  }
0x120: {  	v55 =	vand.u32 $0x7F, v1;
	v3 =	vand.u32 $0xFFFFFE00, v53;
	v56 =	vshll.u32 v54, $0x2  }
0x121: {  	v4 =	vand.u32 $0x7F, v54;
	v3 =	vor.u32 v3, v55;
	v57 =	vand.u32 $0xFFFFFE00, v56  }
0x122: {  	v3 =	vor.u32 v2, v3;
	v4 =	vor.u32 v57, v4  }
0x123: {  	v4 =	vor.u32 v2, v4;
	_ =	sdelay $0x3  }
0x124: {  	v1 =	vcvt.s32.f32 v1;
	v3 =	vld.idx.msk [tilespmem:v3+s18+$0x0], $0xffff  }
0x125: {  	v4 =	vld.idx.msk [tilespmem:v4+s18+$0x0], $0xffff  }
0x126: {  	v0 =	vsub.f32 v0, v1;
	_ =	sdelay $0x1  }
0x127: {  	v1 =	vsub.f32 $1.000000000e+00, v0;
	_ =	sdelay $0x1  }
0x128: {  	v1 =	vmul.f32 v1, v3;
	v0 =	vmul.f32 v0, v4;
	_ =	sdelay $0x1  }
0x129: {  	v0 =	vadd.f32 v1, v0;
	_ =	sdelay $0x1  }
0x12a: {  	[tilespmem:s30+$0xFFFFFFF0] =	vst v0  }
0x12b: {  	v0 =	vld [tilespmem:s9+$0x0];
	_ =	sdelay $0x4  }
0x12c: {  	v58 =	vtrunc.f32 v0  }
0x12d: {  	v1 =	vcvt.f32.s32 v58;
	_ =	sdelay $0x1  }
0x12e: {  	v59 =	vshll.u32 v1, $0x2;
	v60 =	vadd.s32 $0x1, v1  }
0x12f: {  	v61 =	vand.u32 $0x7F, v1;
	v3 =	vand.u32 $0xFFFFFE00, v59;
	v62 =	vshll.u32 v60, $0x2  }
0x130: {  	v4 =	vand.u32 $0x7F, v60;
	v3 =	vor.u32 v3, v61;
	v63 =	vand.u32 $0xFFFFFE00, v62  }
0x131: {  	v4 =	vor.u32 v63, v4;
	v3 =	vor.u32 v2, v3  }
0x132: {  	v2 =	vor.u32 v2, v4;
	_ =	sdelay $0x3  }
0x133: {  	v1 =	vcvt.s32.f32 v1;
	v3 =	vld.idx.msk [tilespmem:v3+s18+$0x0], $0xffff  }
0x134: {  	v2 =	vld.idx.msk [tilespmem:v2+s18+$0x0], $0xffff  }
0x135: {  	v0 =	vsub.f32 v0, v1;
	_ =	sdelay $0x1  }
0x136: {  	v1 =	vsub.f32 $1.000000000e+00, v0  }
0x137: {  	p1 =	sne.s32 s8, $0x3  }
.Ltmp5:
0x138: {  	v1 =	vmul.f32 v1, v3;
	v0 =	vmul.f32 v0, v2;
	(pc) =	sbr.rel @p1 .LBB2_9-.Ltmp5, $3  }
0x139: {  	_ = 	snop  }
0x13a: {  	v0 =	vadd.f32 v1, v0;
	_ =	sdelay $0x1  }
0x13b: {  	s8 =	sadd.s32 $0x1, s8;
	s9 =	sadd.s32 $0x80, s9;
	[tilespmem:s30+$0x0] =	vst v0;
	s30 =	sadd.s32 $0x80, s30  }
.Ltmp6:
0x13c: {  	(pc) =	sbr.rel @p0 .LBB2_12-.Ltmp6, $1  }
0x13d: {  	_ =	sdelay $0x3  }
0x13e: {  	s4 =	sadd.s32 s7, s11  }
.Ltmp7:
0x13f: {  	s6 =	sadd.s32 $0x1, s6;
	s28 =	sadd.s32 $0x800, s28;
	(pc) =	sbr.rel .LBB2_2-.Ltmp7, $4  }
0x140: {  	s29 =	sadd.s32 $0x800, s29;
	s13 =	sadd.s32 $0x800, s13;
	s12 =	sadd.s32 $0x800, s12  }
0x141: {  	s1 =	sadd.s32 $0x800, s1;
	s0 =	sadd.s32 $0x800, s0;
	s4 =	sshrl.u32 s4, $0x3  }
0x142: {  	s19 =	sadd.s32 $0x800, s19;
	s25 =	sadd.s32 $0x800, s25;
	s4 =	sadd.s32 s4, s5  }
0x143: {  	[tilespmem:s18], [sflag:$0x4] =	stream.strided.gather [hbm4b:s4+s14], $0x4000, s15, s14, $0x38;
	[tilespmem:$0x16000] =	vst v63  }
.LBB2_13:
0x144: {  	_ =	sfence.sel $0x180000  }
0x145: {  	[bflag:$0x0] =	sbarrier.arrive $0xFFFF  }
0x146: {  	_ =	strace $0x90000047  }
0x147: {  	s0 =	stileid.u32;
	[bflag:$0x2] =	sbarrier.arrive $0xFFFF  }
0x148: {  	p0 =	sne.s32 s0, $0x0;
	s0 =	rddreg [dreg:$0x2]  }
0x149: {  	s0 =	sadd.s32 @!p0 $0x100000, s0  }
0x14a: {  	[sflag:s0] =	ssyncadd.tile.s32 @!p0 $0x1;
	_ =	shalt  }
.Lfunc_end2:
_tile_overlayer_lowered:
.L_overlay_start_2:
0x14b: {  	(tag) =	ssettag $0x2  }
0x14c: {  	s0 =	rddreg [dreg:$0x0];
	s2 =	stileid.u32  }
0x14d: {  	s1 =	rddreg [dreg:$0x1];
	p0 =	sne.s32 s2, $0x0  }
0x14e: {  	s3 =	rddreg [dreg:$0x2];
	[bflag:$0x3] =	sbarrier.arrive $0xFFFF;
	s2 =	simm.s32 @!p0 $0x1C05  }
0x14f: {  	[timem:s3], [sflag:s2] =	dma.local @!p0 [hbm:s0], s1  }
0x150: {  	s0 =	simm.s32 @!p0 $0x5  }
0x151: {  	_ =	swait.ge @!p0 [sflag:s0], s1  }
0x152: {  	s1 =	ssub.s32 @!p0 $0x0, s1;
	[sflag:s0] =	ssyncset.done @!p0 $0x0  }
0x153: {  	[sflag:s0] =	ssyncadd.s32 @!p0 s1  }
0x154: {  	[bflag:$0x3] =	sbarrier.arrive $0xFFFF  }
0x155: {  	_ =	shalt  }

</sc_bundles>
